<compile_context>
chip_gen: v7x
topology: tpu7x:2x2x1
jax: 0.10.2.dev20260603
libtpu: 0.0.44.dev20260713+nightly
codegen_flags: <defaults>
</compile_context>

<pallas_src>
import functools

import jax
import jax.numpy as jnp
from jax import lax
from jax.experimental import pallas as pl
from jax.experimental.pallas import tpu as pltpu
from jax.experimental.pallas import tpu_sc as plsc

N_TOK = 4096
D_IN = 2048
D_FF = 4096
D_OUT = 2048

M = 512
NB = N_TOK // M
G = NB + 1
F = 1024
KF = D_FF // F

SC_NW = 32
SC_CHUNK = 32
SC_NCHUNK = N_TOK // (SC_NW * SC_CHUNK)


def _route_body(ph_ref, pos_ref, n0_ref):
    p = ph_ref[...]
    pf = p.astype(jnp.float32)
    k = lax.broadcasted_iota(jnp.int32, (128, 128), 0)
    j = lax.broadcasted_iota(jnp.int32, (128, 128), 1)
    lower = (k <= j).astype(jnp.float32)
    rowc = jnp.dot(pf, lower, preferred_element_type=jnp.float32)
    rsum = rowc[:, 127:128]
    a = lax.broadcasted_iota(jnp.int32, (32, 32), 0)
    b = lax.broadcasted_iota(jnp.int32, (32, 32), 1)
    strict = (b < a).astype(jnp.float32)
    roff = jnp.dot(strict, rsum, preferred_element_type=jnp.float32)
    s_incl = (rowc + roff).astype(jnp.int32)
    e_excl = s_incl - p
    n1 = jnp.max(s_incl)
    n0 = N_TOK - n1
    idx = (lax.broadcasted_iota(jnp.int32, (32, 128), 0) * 128
           + lax.broadcasted_iota(jnp.int32, (32, 128), 1))
    pos_ref[...] = jnp.where(p == 0, idx - e_excl, n0 + e_excl)
    n0_ref[0] = n0


def _route(ph2d):
    return pl.pallas_call(
        _route_body,
        out_shape=(
            jax.ShapeDtypeStruct((32, 128), jnp.int32),
            jax.ShapeDtypeStruct((1,), jnp.int32),
        ),
        out_specs=(
            pl.BlockSpec(memory_space=pltpu.MemorySpace.VMEM),
            pl.BlockSpec(memory_space=pltpu.MemorySpace.SMEM),
        ),
        in_specs=[pl.BlockSpec(memory_space=pltpu.MemorySpace.VMEM)],
    )(ph2d)


def _sc_scatter_rows(x, pos3):
    mesh = plsc.VectorSubcoreMesh(core_axis_name="c", subcore_axis_name="s")

    @functools.partial(
        pl.kernel, mesh=mesh,
        out_type=jax.ShapeDtypeStruct((N_TOK, D_IN), jnp.float32),
        scratch_types=[
            pltpu.VMEM((SC_NCHUNK, SC_CHUNK), jnp.int32),
            pltpu.VMEM((SC_CHUNK, D_IN), jnp.float32),
            pltpu.SemaphoreType.DMA,
        ],
    )
    def body(x_hbm, pos_hbm, out_hbm, idx_v, rows_v, sem):
        nc = 2
        wid = lax.axis_index("s") * nc + lax.axis_index("c")
        pltpu.sync_copy(pos_hbm.at[wid], idx_v)
        for j in range(SC_NCHUNK):
            base = wid * (SC_NCHUNK * SC_CHUNK) + j * SC_CHUNK
            pltpu.sync_copy(x_hbm.at[pl.ds(base, SC_CHUNK)], rows_v)
            pltpu.async_copy(rows_v, out_hbm.at[idx_v.at[j]], sem).wait()

    return body(x, pos3)


def _sc_gather_rows(y_sorted, pos3):
    mesh = plsc.VectorSubcoreMesh(core_axis_name="c", subcore_axis_name="s")

    @functools.partial(
        pl.kernel, mesh=mesh,
        out_type=jax.ShapeDtypeStruct((N_TOK, D_OUT), jnp.float32),
        scratch_types=[
            pltpu.VMEM((SC_NCHUNK, SC_CHUNK), jnp.int32),
            pltpu.VMEM((SC_CHUNK, D_OUT), jnp.float32),
            pltpu.SemaphoreType.DMA,
        ],
    )
    def body(ys_hbm, pos_hbm, out_hbm, idx_v, rows_v, sem):
        nc = 2
        wid = lax.axis_index("s") * nc + lax.axis_index("c")
        pltpu.sync_copy(pos_hbm.at[wid], idx_v)
        for j in range(SC_NCHUNK):
            base = wid * (SC_NCHUNK * SC_CHUNK) + j * SC_CHUNK
            pltpu.async_copy(ys_hbm.at[idx_v.at[j]], rows_v, sem).wait()
            pltpu.sync_copy(rows_v, out_hbm.at[pl.ds(base, SC_CHUNK)])

    return body(y_sorted, pos3)


def _cast_body(w1_ref, w2_ref, o1_ref, o2_ref):
    o1_ref[...] = w1_ref[...].astype(jnp.bfloat16)
    o2_ref[...] = w2_ref[...].astype(jnp.bfloat16)


def _cast_weights(W1, W2):
    return pl.pallas_call(
        _cast_body,
        grid=(2, 8),
        in_specs=[
            pl.BlockSpec((1, D_IN, D_FF // 8), lambda p, j: (p, 0, j)),
            pl.BlockSpec((1, D_FF // 8, D_OUT), lambda p, j: (p, j, 0)),
        ],
        out_specs=[
            pl.BlockSpec((1, D_IN, D_FF // 8), lambda p, j: (p, 0, j)),
            pl.BlockSpec((1, D_FF // 8, D_OUT), lambda p, j: (p, j, 0)),
        ],
        out_shape=[
            jax.ShapeDtypeStruct((2, D_IN, D_FF), jnp.bfloat16),
            jax.ShapeDtypeStruct((2, D_FF, D_OUT), jnp.bfloat16),
        ],
    )(W1, W2)


def _row_of(g, n0):
    nb0 = (n0 + (M - 1)) // M
    fl0 = n0 // M
    r = jnp.where(g < nb0, g, fl0 + (g - nb0))
    return jnp.minimum(r, NB - 1)


def _phase_of(g, n0):
    nb0 = (n0 + (M - 1)) // M
    return jnp.where(g < nb0, 0, 1)


def _mlp_body(n0_ref, x_ref, w1_ref, b1_ref, w2_ref, b2_ref, out_ref,
              acc_ref):
    f = pl.program_id(1)
    h = jnp.dot(x_ref[...], w1_ref[0], preferred_element_type=jnp.float32)
    h = jax.nn.gelu(h + b1_ref[0])
    part = jnp.dot(h, w2_ref[0], preferred_element_type=jnp.float32)

    @pl.when(f == 0)
    def _():
        acc_ref[...] = part

    @pl.when(f != 0)
    def _():
        acc_ref[...] = acc_ref[...] + part

    @pl.when(f == KF - 1)
    def _():
        g = pl.program_id(0)
        n0 = n0_ref[0]
        r = _row_of(g, n0)
        p = _phase_of(g, n0)
        rowid = r * M + lax.broadcasted_iota(jnp.int32, (M, 1), 0)
        mask = (rowid < n0) ^ (p == 1)
        out_ref[...] = jnp.where(mask, acc_ref[...] + b2_ref[0],
                                 out_ref[...])


def _mlp(n0, x_sorted, W1, b1, W2, b2):
    grid_spec = pltpu.PrefetchScalarGridSpec(
        num_scalar_prefetch=1,
        grid=(G, KF),
        in_specs=[
            pl.BlockSpec((M, D_IN), lambda g, f, n0: (_row_of(g, n0[0]), 0)),
            pl.BlockSpec((1, D_IN, F), lambda g, f, n0: (_phase_of(g, n0[0]), 0, f)),
            pl.BlockSpec((1, 1, F), lambda g, f, n0: (_phase_of(g, n0[0]), 0, f)),
            pl.BlockSpec((1, F, D_OUT), lambda g, f, n0: (_phase_of(g, n0[0]), f, 0)),
            pl.BlockSpec((1, 1, D_OUT), lambda g, f, n0: (_phase_of(g, n0[0]), 0, 0)),
        ],
        out_specs=pl.BlockSpec((M, D_OUT), lambda g, f, n0: (_row_of(g, n0[0]), 0)),
        scratch_shapes=[pltpu.VMEM((M, D_OUT), jnp.float32)],
    )
    return pl.pallas_call(
        _mlp_body,
        grid_spec=grid_spec,
        out_shape=jax.ShapeDtypeStruct((N_TOK, D_OUT), jnp.float32),
        compiler_params=pltpu.CompilerParams(
            vmem_limit_bytes=100 * 1024 * 1024),
    )(n0, x_sorted, W1, b1.reshape(2, 1, D_FF), W2,
      b2.reshape(2, 1, D_OUT))


def kernel(x, phases, W1, b1, W2, b2):
    ph2d = phases.astype(jnp.int32).reshape(32, 128)
    pos, n0 = _route(ph2d)
    pos3 = pos.reshape(SC_NW, SC_NCHUNK, SC_CHUNK)
    x_sorted = _sc_scatter_rows(x, pos3)
    y_sorted = _mlp(n0, x_sorted, W1, b1, W2, b2)
    return _sc_gather_rows(y_sorted, pos3)

# --- scband reference (transcript-rebuilt; emitter-appended) ---
"""Pipeline reference for scband-branched-ff-55396488184029 (READ-ONLY COPY).

The authoritative reference and input builder live on the scoring server;
editing this copy changes nothing except your own understanding.
"""

import jax, jax.numpy as jnp
import numpy as np

NUM_PHASES = 2
D_MODEL = 2048
D_FF = 4096
OUTPUT_DIM = 2048
TOKENS = 4096


def setup_inputs(seed: int = 0) -> dict:
    key = jax.random.key(seed)
    ks = jax.random.split(key, 6)
    x = jax.random.normal(ks[0], (TOKENS, D_MODEL), dtype=jnp.float32)
    phases = jax.random.randint(ks[1], (TOKENS,), 0, NUM_PHASES, dtype=jnp.int64 if jax.config.jax_enable_x64 else jnp.int32)
    W1 = jax.random.normal(ks[2], (NUM_PHASES, D_MODEL, D_FF), dtype=jnp.float32) * (1.0 / np.sqrt(D_MODEL))
    b1 = jnp.zeros((NUM_PHASES, D_FF), dtype=jnp.float32)
    W2 = jax.random.normal(ks[3], (NUM_PHASES, D_FF, OUTPUT_DIM), dtype=jnp.float32) * (1.0 / np.sqrt(D_FF))
    b2 = jnp.zeros((NUM_PHASES, OUTPUT_DIM), dtype=jnp.float32)
    return {"x": x, "phases": phases, "W1": W1, "b1": b1, "W2": W2, "b2": b2}


def reference(x, phases, W1, b1, W2, b2):
    # BranchedFF forward, 1-D phases path (non-onnx):
    # y[i] = ffs[phases[i]](x[i]) where ff = Linear(d_model,d_ff) -> GELU -> Linear(d_ff,output_dim).
    # Torch gathers tokens per phase and scatters results back; here we compute each
    # branch densely and select per-token by phase mask (identical math/output).
    y = jnp.zeros((x.shape[0], OUTPUT_DIM), dtype=x.dtype)
    for p in range(NUM_PHASES):
        h = jax.nn.gelu(x @ W1[p] + b1[p])
        out_p = h @ W2[p] + b2[p]
        mask = (phases == p)[:, None]
        y = jnp.where(mask, out_p, y)
    return y

if __name__ == "__main__":
    import jax
    _d = setup_inputs()
    print(jax.jit(kernel)(*tuple(_d.values())))

</pallas_src>

<mosaic_0001>
#map = affine_map<(d0, d1) -> (0, 0)>
#map1 = affine_map<(d0, d1) -> (0, 0, 0)>
module attributes {stable_mosaic.version = 14 : i64} {
  func.func @body(%arg0: i32, %arg1: i32, %arg2: memref<4096x2048xf32, #tpu.memory_space<hbm>>, %arg3: memref<32x4x32xi32, #tpu.memory_space<hbm>>, %arg4: memref<4096x2048xf32, #tpu.memory_space<hbm>>, %arg5: memref<4x32xi32, #tpu.memory_space<vmem>>, %arg6: memref<32x2048xf32, #tpu.memory_space<vmem>>, %arg7: memref<!tpu.dma_semaphore, #tpu.memory_space<semaphore_mem>>) attributes {dimension_semantics = [#tpu.dimension_semantics<core_parallel>, #tpu.dimension_semantics<subcore_parallel>], iteration_bounds = array<i64: 2, 16>, scalar_prefetch = 0 : i64, scratch_operands = 3 : i64, tpu.core_type = #tpu.core_type<sc_vector_subcore>, window_params = [{transform_indices = #map}, {transform_indices = #map1}, {transform_indices = #map}]} {
    %mul3A = arith.constant 2 : i32
    %mul3A_0 = arith.muli %arg1, %mul3A : i32
    %add3A = arith.addi %mul3A_0, %arg0 : i32
    "tpu.region"() ({
      %run_scoped3A = tpu.sem_alloc : memref<!tpu.dma_semaphore, #tpu.memory_space<semaphore_mem>>
      %dma_start3A_71 = arith.constant 0 : i32
      %dma_start3A_72 = arith.constant 0 : i32
      %dma_start3A_73 = tpu.memref_slice %arg3[%add3A, %dma_start3A_71, %dma_start3A_72] : memref<32x4x32xi32, #tpu.memory_space<hbm>> -> memref<1x4x32xi32, #tpu.memory_space<hbm>>
      %dma_start3A_74 = tpu.memref_squeeze %dma_start3A_73 : memref<1x4x32xi32, #tpu.memory_space<hbm>> -> memref<4x32xi32, #tpu.memory_space<hbm>>
      %dma_start3A_75 = arith.constant 0 : i32
      %dma_start3A_76 = arith.constant 0 : i32
      %dma_start3A_77 = tpu.memref_slice %arg3[%add3A, %dma_start3A_75, %dma_start3A_76] : memref<32x4x32xi32, #tpu.memory_space<hbm>> -> memref<1x4x32xi32, #tpu.memory_space<hbm>>
      %dma_start3A_78 = tpu.memref_squeeze %dma_start3A_77 : memref<1x4x32xi32, #tpu.memory_space<hbm>> -> memref<4x32xi32, #tpu.memory_space<hbm>>
      tpu.enqueue_dma source(%dma_start3A_78 : memref<4x32xi32, #tpu.memory_space<hbm>>) target(%arg5 : memref<4x32xi32, #tpu.memory_space<vmem>>) target_semaphore(%run_scoped3A : memref<!tpu.dma_semaphore, #tpu.memory_space<semaphore_mem>>)
      %dma_wait3A_79 = arith.constant 0 : i32
      %dma_wait3A_80 = arith.constant 0 : i32
      %dma_wait3A_81 = tpu.memref_slice %arg3[%add3A, %dma_wait3A_79, %dma_wait3A_80] : memref<32x4x32xi32, #tpu.memory_space<hbm>> -> memref<1x4x32xi32, #tpu.memory_space<hbm>>
      %dma_wait3A_82 = tpu.memref_squeeze %dma_wait3A_81 : memref<1x4x32xi32, #tpu.memory_space<hbm>> -> memref<4x32xi32, #tpu.memory_space<hbm>>
      %dma_wait3A_83 = arith.constant 0 : i32
      %dma_wait3A_84 = arith.constant 0 : i32
      %dma_wait3A_85 = tpu.memref_slice %arg3[%add3A, %dma_wait3A_83, %dma_wait3A_84] : memref<32x4x32xi32, #tpu.memory_space<hbm>> -> memref<1x4x32xi32, #tpu.memory_space<hbm>>
      %dma_wait3A_86 = tpu.memref_squeeze %dma_wait3A_85 : memref<1x4x32xi32, #tpu.memory_space<hbm>> -> memref<4x32xi32, #tpu.memory_space<hbm>>
      tpu.wait_dma2 semaphore(%run_scoped3A : memref<!tpu.dma_semaphore, #tpu.memory_space<semaphore_mem>>) src(%dma_wait3A_86 : memref<4x32xi32, #tpu.memory_space<hbm>>) dst(%arg5 : memref<4x32xi32, #tpu.memory_space<vmem>>)
      tpu.yield
    }) : () -> ()
    %mul3A_1 = arith.constant 128 : i32
    %mul3A_2 = arith.muli %add3A, %mul3A_1 : i32
    %add3A_3 = arith.constant 0 : i32
    %add3A_4 = arith.addi %mul3A_2, %add3A_3 : i32
    "tpu.region"() ({
      %run_scoped3A = tpu.sem_alloc : memref<!tpu.dma_semaphore, #tpu.memory_space<semaphore_mem>>
      %dma_start3A_71 = arith.constant 0 : i32
      %dma_start3A_72 = tpu.memref_slice %arg2[%add3A_4, %dma_start3A_71] : memref<4096x2048xf32, #tpu.memory_space<hbm>> -> memref<32x2048xf32, #tpu.memory_space<hbm>>
      %dma_start3A_73 = arith.constant 0 : i32
      %dma_start3A_74 = tpu.memref_slice %arg2[%add3A_4, %dma_start3A_73] : memref<4096x2048xf32, #tpu.memory_space<hbm>> -> memref<32x2048xf32, #tpu.memory_space<hbm>>
      tpu.enqueue_dma source(%dma_start3A_74 : memref<32x2048xf32, #tpu.memory_space<hbm>>) target(%arg6 : memref<32x2048xf32, #tpu.memory_space<vmem>>) target_semaphore(%run_scoped3A : memref<!tpu.dma_semaphore, #tpu.memory_space<semaphore_mem>>)
      %dma_wait3A_75 = arith.constant 0 : i32
      %dma_wait3A_76 = tpu.memref_slice %arg2[%add3A_4, %dma_wait3A_75] : memref<4096x2048xf32, #tpu.memory_space<hbm>> -> memref<32x2048xf32, #tpu.memory_space<hbm>>
      %dma_wait3A_77 = arith.constant 0 : i32
      %dma_wait3A_78 = tpu.memref_slice %arg2[%add3A_4, %dma_wait3A_77] : memref<4096x2048xf32, #tpu.memory_space<hbm>> -> memref<32x2048xf32, #tpu.memory_space<hbm>>
      tpu.wait_dma2 semaphore(%run_scoped3A : memref<!tpu.dma_semaphore, #tpu.memory_space<semaphore_mem>>) src(%dma_wait3A_78 : memref<32x2048xf32, #tpu.memory_space<hbm>>) dst(%arg6 : memref<32x2048xf32, #tpu.memory_space<vmem>>)
      tpu.yield
    }) : () -> ()
    %dma_start3A = arith.constant 0 : i32
    %dma_start3A_5 = arith.constant 0 : i32
    %dma_start3A_6 = tpu.memref_slice %arg5[%dma_start3A, %dma_start3A_5] : memref<4x32xi32, #tpu.memory_space<vmem>> -> memref<1x32xi32, #tpu.memory_space<vmem>>
    %dma_start3A_7 = tpu.memref_squeeze %dma_start3A_6 : memref<1x32xi32, #tpu.memory_space<vmem>> -> memref<32xi32, #tpu.memory_space<vmem>>
    %dma_start3A_8 = arith.constant 0 : i32
    %dma_start3A_9 = arith.constant 0 : i32
    %dma_start3A_10 = tpu.memref_slice %arg4[%dma_start3A_8, %dma_start3A_9] : memref<4096x2048xf32, #tpu.memory_space<hbm>> -> memref<4096x2048xf32, #tpu.memory_space<hbm>>
    tpu.enqueue_indirect_dma source(%arg6 : memref<32x2048xf32, #tpu.memory_space<vmem>>) target(%dma_start3A_10 : memref<4096x2048xf32, #tpu.memory_space<hbm>>) offsets(%dma_start3A_7 : memref<32xi32, #tpu.memory_space<vmem>>) semaphore(%arg7 : memref<!tpu.dma_semaphore, #tpu.memory_space<semaphore_mem>>)
    %dma_wait3A = arith.constant 0 : i32
    %dma_wait3A_11 = arith.constant 0 : i32
    %dma_wait3A_12 = tpu.memref_slice %arg5[%dma_wait3A, %dma_wait3A_11] : memref<4x32xi32, #tpu.memory_space<vmem>> -> memref<1x32xi32, #tpu.memory_space<vmem>>
    %dma_wait3A_13 = tpu.memref_squeeze %dma_wait3A_12 : memref<1x32xi32, #tpu.memory_space<vmem>> -> memref<32xi32, #tpu.memory_space<vmem>>
    %dma_wait3A_14 = arith.constant 0 : i32
    %dma_wait3A_15 = arith.constant 0 : i32
    %dma_wait3A_16 = tpu.memref_slice %arg4[%dma_wait3A_14, %dma_wait3A_15] : memref<4096x2048xf32, #tpu.memory_space<hbm>> -> memref<4096x2048xf32, #tpu.memory_space<hbm>>
    tpu.wait_indirect_dma semaphore(%arg7 : memref<!tpu.dma_semaphore, #tpu.memory_space<semaphore_mem>>) src(%arg6 : memref<32x2048xf32, #tpu.memory_space<vmem>>) dst(%dma_wait3A_16 : memref<4096x2048xf32, #tpu.memory_space<hbm>>)
    %mul3A_17 = arith.constant 128 : i32
    %mul3A_18 = arith.muli %add3A, %mul3A_17 : i32
    %add3A_19 = arith.constant 32 : i32
    %add3A_20 = arith.addi %mul3A_18, %add3A_19 : i32
    "tpu.region"() ({
      %run_scoped3A = tpu.sem_alloc : memref<!tpu.dma_semaphore, #tpu.memory_space<semaphore_mem>>
      %dma_start3A_71 = arith.constant 0 : i32
      %dma_start3A_72 = tpu.memref_slice %arg2[%add3A_20, %dma_start3A_71] : memref<4096x2048xf32, #tpu.memory_space<hbm>> -> memref<32x2048xf32, #tpu.memory_space<hbm>>
      %dma_start3A_73 = arith.constant 0 : i32
      %dma_start3A_74 = tpu.memref_slice %arg2[%add3A_20, %dma_start3A_73] : memref<4096x2048xf32, #tpu.memory_space<hbm>> -> memref<32x2048xf32, #tpu.memory_space<hbm>>
      tpu.enqueue_dma source(%dma_start3A_74 : memref<32x2048xf32, #tpu.memory_space<hbm>>) target(%arg6 : memref<32x2048xf32, #tpu.memory_space<vmem>>) target_semaphore(%run_scoped3A : memref<!tpu.dma_semaphore, #tpu.memory_space<semaphore_mem>>)
      %dma_wait3A_75 = arith.constant 0 : i32
      %dma_wait3A_76 = tpu.memref_slice %arg2[%add3A_20, %dma_wait3A_75] : memref<4096x2048xf32, #tpu.memory_space<hbm>> -> memref<32x2048xf32, #tpu.memory_space<hbm>>
      %dma_wait3A_77 = arith.constant 0 : i32
      %dma_wait3A_78 = tpu.memref_slice %arg2[%add3A_20, %dma_wait3A_77] : memref<4096x2048xf32, #tpu.memory_space<hbm>> -> memref<32x2048xf32, #tpu.memory_space<hbm>>
      tpu.wait_dma2 semaphore(%run_scoped3A : memref<!tpu.dma_semaphore, #tpu.memory_space<semaphore_mem>>) src(%dma_wait3A_78 : memref<32x2048xf32, #tpu.memory_space<hbm>>) dst(%arg6 : memref<32x2048xf32, #tpu.memory_space<vmem>>)
      tpu.yield
    }) : () -> ()
    %dma_start3A_21 = arith.constant 1 : i32
    %dma_start3A_22 = arith.constant 0 : i32
    %dma_start3A_23 = tpu.memref_slice %arg5[%dma_start3A_21, %dma_start3A_22] : memref<4x32xi32, #tpu.memory_space<vmem>> -> memref<1x32xi32, #tpu.memory_space<vmem>>
    %dma_start3A_24 = tpu.memref_squeeze %dma_start3A_23 : memref<1x32xi32, #tpu.memory_space<vmem>> -> memref<32xi32, #tpu.memory_space<vmem>>
    %dma_start3A_25 = arith.constant 0 : i32
    %dma_start3A_26 = arith.constant 0 : i32
    %dma_start3A_27 = tpu.memref_slice %arg4[%dma_start3A_25, %dma_start3A_26] : memref<4096x2048xf32, #tpu.memory_space<hbm>> -> memref<4096x2048xf32, #tpu.memory_space<hbm>>
    tpu.enqueue_indirect_dma source(%arg6 : memref<32x2048xf32, #tpu.memory_space<vmem>>) target(%dma_start3A_27 : memref<4096x2048xf32, #tpu.memory_space<hbm>>) offsets(%dma_start3A_24 : memref<32xi32, #tpu.memory_space<vmem>>) semaphore(%arg7 : memref<!tpu.dma_semaphore, #tpu.memory_space<semaphore_mem>>)
    %dma_wait3A_28 = arith.constant 1 : i32
    %dma_wait3A_29 = arith.constant 0 : i32
    %dma_wait3A_30 = tpu.memref_slice %arg5[%dma_wait3A_28, %dma_wait3A_29] : memref<4x32xi32, #tpu.memory_space<vmem>> -> memref<1x32xi32, #tpu.memory_space<vmem>>
    %dma_wait3A_31 = tpu.memref_squeeze %dma_wait3A_30 : memref<1x32xi32, #tpu.memory_space<vmem>> -> memref<32xi32, #tpu.memory_space<vmem>>
    %dma_wait3A_32 = arith.constant 0 : i32
    %dma_wait3A_33 = arith.constant 0 : i32
    %dma_wait3A_34 = tpu.memref_slice %arg4[%dma_wait3A_32, %dma_wait3A_33] : memref<4096x2048xf32, #tpu.memory_space<hbm>> -> memref<4096x2048xf32, #tpu.memory_space<hbm>>
    tpu.wait_indirect_dma semaphore(%arg7 : memref<!tpu.dma_semaphore, #tpu.memory_space<semaphore_mem>>) src(%arg6 : memref<32x2048xf32, #tpu.memory_space<vmem>>) dst(%dma_wait3A_34 : memref<4096x2048xf32, #tpu.memory_space<hbm>>)
    %mul3A_35 = arith.constant 128 : i32
    %mul3A_36 = arith.muli %add3A, %mul3A_35 : i32
    %add3A_37 = arith.constant 64 : i32
    %add3A_38 = arith.addi %mul3A_36, %add3A_37 : i32
    "tpu.region"() ({
      %run_scoped3A = tpu.sem_alloc : memref<!tpu.dma_semaphore, #tpu.memory_space<semaphore_mem>>
      %dma_start3A_71 = arith.constant 0 : i32
      %dma_start3A_72 = tpu.memref_slice %arg2[%add3A_38, %dma_start3A_71] : memref<4096x2048xf32, #tpu.memory_space<hbm>> -> memref<32x2048xf32, #tpu.memory_space<hbm>>
      %dma_start3A_73 = arith.constant 0 : i32
      %dma_start3A_74 = tpu.memref_slice %arg2[%add3A_38, %dma_start3A_73] : memref<4096x2048xf32, #tpu.memory_space<hbm>> -> memref<32x2048xf32, #tpu.memory_space<hbm>>
      tpu.enqueue_dma source(%dma_start3A_74 : memref<32x2048xf32, #tpu.memory_space<hbm>>) target(%arg6 : memref<32x2048xf32, #tpu.memory_space<vmem>>) target_semaphore(%run_scoped3A : memref<!tpu.dma_semaphore, #tpu.memory_space<semaphore_mem>>)
      %dma_wait3A_75 = arith.constant 0 : i32
      %dma_wait3A_76 = tpu.memref_slice %arg2[%add3A_38, %dma_wait3A_75] : memref<4096x2048xf32, #tpu.memory_space<hbm>> -> memref<32x2048xf32, #tpu.memory_space<hbm>>
      %dma_wait3A_77 = arith.constant 0 : i32
      %dma_wait3A_78 = tpu.memref_slice %arg2[%add3A_38, %dma_wait3A_77] : memref<4096x2048xf32, #tpu.memory_space<hbm>> -> memref<32x2048xf32, #tpu.memory_space<hbm>>
      tpu.wait_dma2 semaphore(%run_scoped3A : memref<!tpu.dma_semaphore, #tpu.memory_space<semaphore_mem>>) src(%dma_wait3A_78 : memref<32x2048xf32, #tpu.memory_space<hbm>>) dst(%arg6 : memref<32x2048xf32, #tpu.memory_space<vmem>>)
      tpu.yield
    }) : () -> ()
    %dma_start3A_39 = arith.constant 2 : i32
    %dma_start3A_40 = arith.constant 0 : i32
    %dma_start3A_41 = tpu.memref_slice %arg5[%dma_start3A_39, %dma_start3A_40] : memref<4x32xi32, #tpu.memory_space<vmem>> -> memref<1x32xi32, #tpu.memory_space<vmem>>
    %dma_start3A_42 = tpu.memref_squeeze %dma_start3A_41 : memref<1x32xi32, #tpu.memory_space<vmem>> -> memref<32xi32, #tpu.memory_space<vmem>>
    %dma_start3A_43 = arith.constant 0 : i32
    %dma_start3A_44 = arith.constant 0 : i32
    %dma_start3A_45 = tpu.memref_slice %arg4[%dma_start3A_43, %dma_start3A_44] : memref<4096x2048xf32, #tpu.memory_space<hbm>> -> memref<4096x2048xf32, #tpu.memory_space<hbm>>
    tpu.enqueue_indirect_dma source(%arg6 : memref<32x2048xf32, #tpu.memory_space<vmem>>) target(%dma_start3A_45 : memref<4096x2048xf32, #tpu.memory_space<hbm>>) offsets(%dma_start3A_42 : memref<32xi32, #tpu.memory_space<vmem>>) semaphore(%arg7 : memref<!tpu.dma_semaphore, #tpu.memory_space<semaphore_mem>>)
    %dma_wait3A_46 = arith.constant 2 : i32
    %dma_wait3A_47 = arith.constant 0 : i32
    %dma_wait3A_48 = tpu.memref_slice %arg5[%dma_wait3A_46, %dma_wait3A_47] : memref<4x32xi32, #tpu.memory_space<vmem>> -> memref<1x32xi32, #tpu.memory_space<vmem>>
    %dma_wait3A_49 = tpu.memref_squeeze %dma_wait3A_48 : memref<1x32xi32, #tpu.memory_space<vmem>> -> memref<32xi32, #tpu.memory_space<vmem>>
    %dma_wait3A_50 = arith.constant 0 : i32
    %dma_wait3A_51 = arith.constant 0 : i32
    %dma_wait3A_52 = tpu.memref_slice %arg4[%dma_wait3A_50, %dma_wait3A_51] : memref<4096x2048xf32, #tpu.memory_space<hbm>> -> memref<4096x2048xf32, #tpu.memory_space<hbm>>
    tpu.wait_indirect_dma semaphore(%arg7 : memref<!tpu.dma_semaphore, #tpu.memory_space<semaphore_mem>>) src(%arg6 : memref<32x2048xf32, #tpu.memory_space<vmem>>) dst(%dma_wait3A_52 : memref<4096x2048xf32, #tpu.memory_space<hbm>>)
    %mul3A_53 = arith.constant 128 : i32
    %mul3A_54 = arith.muli %add3A, %mul3A_53 : i32
    %add3A_55 = arith.constant 96 : i32
    %add3A_56 = arith.addi %mul3A_54, %add3A_55 : i32
    "tpu.region"() ({
      %run_scoped3A = tpu.sem_alloc : memref<!tpu.dma_semaphore, #tpu.memory_space<semaphore_mem>>
      %dma_start3A_71 = arith.constant 0 : i32
      %dma_start3A_72 = tpu.memref_slice %arg2[%add3A_56, %dma_start3A_71] : memref<4096x2048xf32, #tpu.memory_space<hbm>> -> memref<32x2048xf32, #tpu.memory_space<hbm>>
      %dma_start3A_73 = arith.constant 0 : i32
      %dma_start3A_74 = tpu.memref_slice %arg2[%add3A_56, %dma_start3A_73] : memref<4096x2048xf32, #tpu.memory_space<hbm>> -> memref<32x2048xf32, #tpu.memory_space<hbm>>
      tpu.enqueue_dma source(%dma_start3A_74 : memref<32x2048xf32, #tpu.memory_space<hbm>>) target(%arg6 : memref<32x2048xf32, #tpu.memory_space<vmem>>) target_semaphore(%run_scoped3A : memref<!tpu.dma_semaphore, #tpu.memory_space<semaphore_mem>>)
      %dma_wait3A_75 = arith.constant 0 : i32
      %dma_wait3A_76 = tpu.memref_slice %arg2[%add3A_56, %dma_wait3A_75] : memref<4096x2048xf32, #tpu.memory_space<hbm>> -> memref<32x2048xf32, #tpu.memory_space<hbm>>
      %dma_wait3A_77 = arith.constant 0 : i32
      %dma_wait3A_78 = tpu.memref_slice %arg2[%add3A_56, %dma_wait3A_77] : memref<4096x2048xf32, #tpu.memory_space<hbm>> -> memref<32x2048xf32, #tpu.memory_space<hbm>>
      tpu.wait_dma2 semaphore(%run_scoped3A : memref<!tpu.dma_semaphore, #tpu.memory_space<semaphore_mem>>) src(%dma_wait3A_78 : memref<32x2048xf32, #tpu.memory_space<hbm>>) dst(%arg6 : memref<32x2048xf32, #tpu.memory_space<vmem>>)
      tpu.yield
    }) : () -> ()
    %dma_start3A_57 = arith.constant 3 : i32
    %dma_start3A_58 = arith.constant 0 : i32
    %dma_start3A_59 = tpu.memref_slice %arg5[%dma_start3A_57, %dma_start3A_58] : memref<4x32xi32, #tpu.memory_space<vmem>> -> memref<1x32xi32, #tpu.memory_space<vmem>>
    %dma_start3A_60 = tpu.memref_squeeze %dma_start3A_59 : memref<1x32xi32, #tpu.memory_space<vmem>> -> memref<32xi32, #tpu.memory_space<vmem>>
    %dma_start3A_61 = arith.constant 0 : i32
    %dma_start3A_62 = arith.constant 0 : i32
    %dma_start3A_63 = tpu.memref_slice %arg4[%dma_start3A_61, %dma_start3A_62] : memref<4096x2048xf32, #tpu.memory_space<hbm>> -> memref<4096x2048xf32, #tpu.memory_space<hbm>>
    tpu.enqueue_indirect_dma source(%arg6 : memref<32x2048xf32, #tpu.memory_space<vmem>>) target(%dma_start3A_63 : memref<4096x2048xf32, #tpu.memory_space<hbm>>) offsets(%dma_start3A_60 : memref<32xi32, #tpu.memory_space<vmem>>) semaphore(%arg7 : memref<!tpu.dma_semaphore, #tpu.memory_space<semaphore_mem>>)
    %dma_wait3A_64 = arith.constant 3 : i32
    %dma_wait3A_65 = arith.constant 0 : i32
    %dma_wait3A_66 = tpu.memref_slice %arg5[%dma_wait3A_64, %dma_wait3A_65] : memref<4x32xi32, #tpu.memory_space<vmem>> -> memref<1x32xi32, #tpu.memory_space<vmem>>
    %dma_wait3A_67 = tpu.memref_squeeze %dma_wait3A_66 : memref<1x32xi32, #tpu.memory_space<vmem>> -> memref<32xi32, #tpu.memory_space<vmem>>
    %dma_wait3A_68 = arith.constant 0 : i32
    %dma_wait3A_69 = arith.constant 0 : i32
    %dma_wait3A_70 = tpu.memref_slice %arg4[%dma_wait3A_68, %dma_wait3A_69] : memref<4096x2048xf32, #tpu.memory_space<hbm>> -> memref<4096x2048xf32, #tpu.memory_space<hbm>>
    tpu.wait_indirect_dma semaphore(%arg7 : memref<!tpu.dma_semaphore, #tpu.memory_space<semaphore_mem>>) src(%arg6 : memref<32x2048xf32, #tpu.memory_space<vmem>>) dst(%dma_wait3A_70 : memref<4096x2048xf32, #tpu.memory_space<hbm>>)
    return
  }
}

#map = affine_map<(d0, d1) -> (0, 0)>
#map1 = affine_map<(d0, d1) -> (0, 0, 0)>
module attributes {stable_mosaic.version = 14 : i64} {
  func.func @body(%arg0: i32, %arg1: i32, %arg2: memref<4096x2048xf32, #tpu.memory_space<hbm>>, %arg3: memref<32x4x32xi32, #tpu.memory_space<hbm>>, %arg4: memref<4096x2048xf32, #tpu.memory_space<hbm>>, %arg5: memref<4x32xi32, #tpu.memory_space<vmem>>, %arg6: memref<32x2048xf32, #tpu.memory_space<vmem>>, %arg7: memref<!tpu.dma_semaphore, #tpu.memory_space<semaphore_mem>>) attributes {dimension_semantics = [#tpu.dimension_semantics<core_parallel>, #tpu.dimension_semantics<subcore_parallel>], iteration_bounds = array<i64: 2, 16>, scalar_prefetch = 0 : i64, scratch_operands = 3 : i64, tpu.core_type = #tpu.core_type<sc_vector_subcore>, window_params = [{transform_indices = #map}, {transform_indices = #map1}, {transform_indices = #map}]} {
    %mul3A = arith.constant 2 : i32
    %mul3A_0 = arith.muli %arg1, %mul3A : i32
    %add3A = arith.addi %mul3A_0, %arg0 : i32
    "tpu.region"() ({
      %run_scoped3A = tpu.sem_alloc : memref<!tpu.dma_semaphore, #tpu.memory_space<semaphore_mem>>
      %dma_start3A_71 = arith.constant 0 : i32
      %dma_start3A_72 = arith.constant 0 : i32
      %dma_start3A_73 = tpu.memref_slice %arg3[%add3A, %dma_start3A_71, %dma_start3A_72] : memref<32x4x32xi32, #tpu.memory_space<hbm>> -> memref<1x4x32xi32, #tpu.memory_space<hbm>>
      %dma_start3A_74 = tpu.memref_squeeze %dma_start3A_73 : memref<1x4x32xi32, #tpu.memory_space<hbm>> -> memref<4x32xi32, #tpu.memory_space<hbm>>
      %dma_start3A_75 = arith.constant 0 : i32
      %dma_start3A_76 = arith.constant 0 : i32
      %dma_start3A_77 = tpu.memref_slice %arg3[%add3A, %dma_start3A_75, %dma_start3A_76] : memref<32x4x32xi32, #tpu.memory_space<hbm>> -> memref<1x4x32xi32, #tpu.memory_space<hbm>>
      %dma_start3A_78 = tpu.memref_squeeze %dma_start3A_77 : memref<1x4x32xi32, #tpu.memory_space<hbm>> -> memref<4x32xi32, #tpu.memory_space<hbm>>
      tpu.enqueue_dma source(%dma_start3A_78 : memref<4x32xi32, #tpu.memory_space<hbm>>) target(%arg5 : memref<4x32xi32, #tpu.memory_space<vmem>>) target_semaphore(%run_scoped3A : memref<!tpu.dma_semaphore, #tpu.memory_space<semaphore_mem>>)
      %dma_wait3A_79 = arith.constant 0 : i32
      %dma_wait3A_80 = arith.constant 0 : i32
      %dma_wait3A_81 = tpu.memref_slice %arg3[%add3A, %dma_wait3A_79, %dma_wait3A_80] : memref<32x4x32xi32, #tpu.memory_space<hbm>> -> memref<1x4x32xi32, #tpu.memory_space<hbm>>
      %dma_wait3A_82 = tpu.memref_squeeze %dma_wait3A_81 : memref<1x4x32xi32, #tpu.memory_space<hbm>> -> memref<4x32xi32, #tpu.memory_space<hbm>>
      %dma_wait3A_83 = arith.constant 0 : i32
      %dma_wait3A_84 = arith.constant 0 : i32
      %dma_wait3A_85 = tpu.memref_slice %arg3[%add3A, %dma_wait3A_83, %dma_wait3A_84] : memref<32x4x32xi32, #tpu.memory_space<hbm>> -> memref<1x4x32xi32, #tpu.memory_space<hbm>>
      %dma_wait3A_86 = tpu.memref_squeeze %dma_wait3A_85 : memref<1x4x32xi32, #tpu.memory_space<hbm>> -> memref<4x32xi32, #tpu.memory_space<hbm>>
      tpu.wait_dma2 semaphore(%run_scoped3A : memref<!tpu.dma_semaphore, #tpu.memory_space<semaphore_mem>>) src(%dma_wait3A_86 : memref<4x32xi32, #tpu.memory_space<hbm>>) dst(%arg5 : memref<4x32xi32, #tpu.memory_space<vmem>>)
      tpu.yield
    }) : () -> ()
    %mul3A_1 = arith.constant 128 : i32
    %mul3A_2 = arith.muli %add3A, %mul3A_1 : i32
    %add3A_3 = arith.constant 0 : i32
    %add3A_4 = arith.addi %mul3A_2, %add3A_3 : i32
    %dma_start3A = arith.constant 0 : i32
    %dma_start3A_5 = arith.constant 0 : i32
    %dma_start3A_6 = tpu.memref_slice %arg5[%dma_start3A, %dma_start3A_5] : memref<4x32xi32, #tpu.memory_space<vmem>> -> memref<1x32xi32, #tpu.memory_space<vmem>>
    %dma_start3A_7 = tpu.memref_squeeze %dma_start3A_6 : memref<1x32xi32, #tpu.memory_space<vmem>> -> memref<32xi32, #tpu.memory_space<vmem>>
    %dma_start3A_8 = arith.constant 0 : i32
    %dma_start3A_9 = arith.constant 0 : i32
    %dma_start3A_10 = tpu.memref_slice %arg2[%dma_start3A_8, %dma_start3A_9] : memref<4096x2048xf32, #tpu.memory_space<hbm>> -> memref<4096x2048xf32, #tpu.memory_space<hbm>>
    tpu.enqueue_indirect_dma source(%dma_start3A_10 : memref<4096x2048xf32, #tpu.memory_space<hbm>>) target(%arg6 : memref<32x2048xf32, #tpu.memory_space<vmem>>) offsets(%dma_start3A_7 : memref<32xi32, #tpu.memory_space<vmem>>) semaphore(%arg7 : memref<!tpu.dma_semaphore, #tpu.memory_space<semaphore_mem>>)
    %dma_wait3A = arith.constant 0 : i32
    %dma_wait3A_11 = arith.constant 0 : i32
    %dma_wait3A_12 = tpu.memref_slice %arg5[%dma_wait3A, %dma_wait3A_11] : memref<4x32xi32, #tpu.memory_space<vmem>> -> memref<1x32xi32, #tpu.memory_space<vmem>>
    %dma_wait3A_13 = tpu.memref_squeeze %dma_wait3A_12 : memref<1x32xi32, #tpu.memory_space<vmem>> -> memref<32xi32, #tpu.memory_space<vmem>>
    %dma_wait3A_14 = arith.constant 0 : i32
    %dma_wait3A_15 = arith.constant 0 : i32
    %dma_wait3A_16 = tpu.memref_slice %arg2[%dma_wait3A_14, %dma_wait3A_15] : memref<4096x2048xf32, #tpu.memory_space<hbm>> -> memref<4096x2048xf32, #tpu.memory_space<hbm>>
    tpu.wait_indirect_dma semaphore(%arg7 : memref<!tpu.dma_semaphore, #tpu.memory_space<semaphore_mem>>) src(%dma_wait3A_16 : memref<4096x2048xf32, #tpu.memory_space<hbm>>) dst(%arg6 : memref<32x2048xf32, #tpu.memory_space<vmem>>)
    "tpu.region"() ({
      %run_scoped3A = tpu.sem_alloc : memref<!tpu.dma_semaphore, #tpu.memory_space<semaphore_mem>>
      %dma_start3A_71 = arith.constant 0 : i32
      %dma_start3A_72 = tpu.memref_slice %arg4[%add3A_4, %dma_start3A_71] : memref<4096x2048xf32, #tpu.memory_space<hbm>> -> memref<32x2048xf32, #tpu.memory_space<hbm>>
      %dma_start3A_73 = arith.constant 0 : i32
      %dma_start3A_74 = tpu.memref_slice %arg4[%add3A_4, %dma_start3A_73] : memref<4096x2048xf32, #tpu.memory_space<hbm>> -> memref<32x2048xf32, #tpu.memory_space<hbm>>
      tpu.enqueue_dma source(%arg6 : memref<32x2048xf32, #tpu.memory_space<vmem>>) target(%dma_start3A_74 : memref<32x2048xf32, #tpu.memory_space<hbm>>) target_semaphore(%run_scoped3A : memref<!tpu.dma_semaphore, #tpu.memory_space<semaphore_mem>>)
      %dma_wait3A_75 = arith.constant 0 : i32
      %dma_wait3A_76 = tpu.memref_slice %arg4[%add3A_4, %dma_wait3A_75] : memref<4096x2048xf32, #tpu.memory_space<hbm>> -> memref<32x2048xf32, #tpu.memory_space<hbm>>
      %dma_wait3A_77 = arith.constant 0 : i32
      %dma_wait3A_78 = tpu.memref_slice %arg4[%add3A_4, %dma_wait3A_77] : memref<4096x2048xf32, #tpu.memory_space<hbm>> -> memref<32x2048xf32, #tpu.memory_space<hbm>>
      tpu.wait_dma2 semaphore(%run_scoped3A : memref<!tpu.dma_semaphore, #tpu.memory_space<semaphore_mem>>) src(%arg6 : memref<32x2048xf32, #tpu.memory_space<vmem>>) dst(%dma_wait3A_78 : memref<32x2048xf32, #tpu.memory_space<hbm>>)
      tpu.yield
    }) : () -> ()
    %mul3A_17 = arith.constant 128 : i32
    %mul3A_18 = arith.muli %add3A, %mul3A_17 : i32
    %add3A_19 = arith.constant 32 : i32
    %add3A_20 = arith.addi %mul3A_18, %add3A_19 : i32
    %dma_start3A_21 = arith.constant 1 : i32
    %dma_start3A_22 = arith.constant 0 : i32
    %dma_start3A_23 = tpu.memref_slice %arg5[%dma_start3A_21, %dma_start3A_22] : memref<4x32xi32, #tpu.memory_space<vmem>> -> memref<1x32xi32, #tpu.memory_space<vmem>>
    %dma_start3A_24 = tpu.memref_squeeze %dma_start3A_23 : memref<1x32xi32, #tpu.memory_space<vmem>> -> memref<32xi32, #tpu.memory_space<vmem>>
    %dma_start3A_25 = arith.constant 0 : i32
    %dma_start3A_26 = arith.constant 0 : i32
    %dma_start3A_27 = tpu.memref_slice %arg2[%dma_start3A_25, %dma_start3A_26] : memref<4096x2048xf32, #tpu.memory_space<hbm>> -> memref<4096x2048xf32, #tpu.memory_space<hbm>>
    tpu.enqueue_indirect_dma source(%dma_start3A_27 : memref<4096x2048xf32, #tpu.memory_space<hbm>>) target(%arg6 : memref<32x2048xf32, #tpu.memory_space<vmem>>) offsets(%dma_start3A_24 : memref<32xi32, #tpu.memory_space<vmem>>) semaphore(%arg7 : memref<!tpu.dma_semaphore, #tpu.memory_space<semaphore_mem>>)
    %dma_wait3A_28 = arith.constant 1 : i32
    %dma_wait3A_29 = arith.constant 0 : i32
    %dma_wait3A_30 = tpu.memref_slice %arg5[%dma_wait3A_28, %dma_wait3A_29] : memref<4x32xi32, #tpu.memory_space<vmem>> -> memref<1x32xi32, #tpu.memory_space<vmem>>
    %dma_wait3A_31 = tpu.memref_squeeze %dma_wait3A_30 : memref<1x32xi32, #tpu.memory_space<vmem>> -> memref<32xi32, #tpu.memory_space<vmem>>
    %dma_wait3A_32 = arith.constant 0 : i32
    %dma_wait3A_33 = arith.constant 0 : i32
    %dma_wait3A_34 = tpu.memref_slice %arg2[%dma_wait3A_32, %dma_wait3A_33] : memref<4096x2048xf32, #tpu.memory_space<hbm>> -> memref<4096x2048xf32, #tpu.memory_space<hbm>>
    tpu.wait_indirect_dma semaphore(%arg7 : memref<!tpu.dma_semaphore, #tpu.memory_space<semaphore_mem>>) src(%dma_wait3A_34 : memref<4096x2048xf32, #tpu.memory_space<hbm>>) dst(%arg6 : memref<32x2048xf32, #tpu.memory_space<vmem>>)
    "tpu.region"() ({
      %run_scoped3A = tpu.sem_alloc : memref<!tpu.dma_semaphore, #tpu.memory_space<semaphore_mem>>
      %dma_start3A_71 = arith.constant 0 : i32
      %dma_start3A_72 = tpu.memref_slice %arg4[%add3A_20, %dma_start3A_71] : memref<4096x2048xf32, #tpu.memory_space<hbm>> -> memref<32x2048xf32, #tpu.memory_space<hbm>>
      %dma_start3A_73 = arith.constant 0 : i32
      %dma_start3A_74 = tpu.memref_slice %arg4[%add3A_20, %dma_start3A_73] : memref<4096x2048xf32, #tpu.memory_space<hbm>> -> memref<32x2048xf32, #tpu.memory_space<hbm>>
      tpu.enqueue_dma source(%arg6 : memref<32x2048xf32, #tpu.memory_space<vmem>>) target(%dma_start3A_74 : memref<32x2048xf32, #tpu.memory_space<hbm>>) target_semaphore(%run_scoped3A : memref<!tpu.dma_semaphore, #tpu.memory_space<semaphore_mem>>)
      %dma_wait3A_75 = arith.constant 0 : i32
      %dma_wait3A_76 = tpu.memref_slice %arg4[%add3A_20, %dma_wait3A_75] : memref<4096x2048xf32, #tpu.memory_space<hbm>> -> memref<32x2048xf32, #tpu.memory_space<hbm>>
      %dma_wait3A_77 = arith.constant 0 : i32
      %dma_wait3A_78 = tpu.memref_slice %arg4[%add3A_20, %dma_wait3A_77] : memref<4096x2048xf32, #tpu.memory_space<hbm>> -> memref<32x2048xf32, #tpu.memory_space<hbm>>
      tpu.wait_dma2 semaphore(%run_scoped3A : memref<!tpu.dma_semaphore, #tpu.memory_space<semaphore_mem>>) src(%arg6 : memref<32x2048xf32, #tpu.memory_space<vmem>>) dst(%dma_wait3A_78 : memref<32x2048xf32, #tpu.memory_space<hbm>>)
      tpu.yield
    }) : () -> ()
    %mul3A_35 = arith.constant 128 : i32
    %mul3A_36 = arith.muli %add3A, %mul3A_35 : i32
    %add3A_37 = arith.constant 64 : i32
    %add3A_38 = arith.addi %mul3A_36, %add3A_37 : i32
    %dma_start3A_39 = arith.constant 2 : i32
    %dma_start3A_40 = arith.constant 0 : i32
    %dma_start3A_41 = tpu.memref_slice %arg5[%dma_start3A_39, %dma_start3A_40] : memref<4x32xi32, #tpu.memory_space<vmem>> -> memref<1x32xi32, #tpu.memory_space<vmem>>
    %dma_start3A_42 = tpu.memref_squeeze %dma_start3A_41 : memref<1x32xi32, #tpu.memory_space<vmem>> -> memref<32xi32, #tpu.memory_space<vmem>>
    %dma_start3A_43 = arith.constant 0 : i32
    %dma_start3A_44 = arith.constant 0 : i32
    %dma_start3A_45 = tpu.memref_slice %arg2[%dma_start3A_43, %dma_start3A_44] : memref<4096x2048xf32, #tpu.memory_space<hbm>> -> memref<4096x2048xf32, #tpu.memory_space<hbm>>
    tpu.enqueue_indirect_dma source(%dma_start3A_45 : memref<4096x2048xf32, #tpu.memory_space<hbm>>) target(%arg6 : memref<32x2048xf32, #tpu.memory_space<vmem>>) offsets(%dma_start3A_42 : memref<32xi32, #tpu.memory_space<vmem>>) semaphore(%arg7 : memref<!tpu.dma_semaphore, #tpu.memory_space<semaphore_mem>>)
    %dma_wait3A_46 = arith.constant 2 : i32
    %dma_wait3A_47 = arith.constant 0 : i32
    %dma_wait3A_48 = tpu.memref_slice %arg5[%dma_wait3A_46, %dma_wait3A_47] : memref<4x32xi32, #tpu.memory_space<vmem>> -> memref<1x32xi32, #tpu.memory_space<vmem>>
    %dma_wait3A_49 = tpu.memref_squeeze %dma_wait3A_48 : memref<1x32xi32, #tpu.memory_space<vmem>> -> memref<32xi32, #tpu.memory_space<vmem>>
    %dma_wait3A_50 = arith.constant 0 : i32
    %dma_wait3A_51 = arith.constant 0 : i32
    %dma_wait3A_52 = tpu.memref_slice %arg2[%dma_wait3A_50, %dma_wait3A_51] : memref<4096x2048xf32, #tpu.memory_space<hbm>> -> memref<4096x2048xf32, #tpu.memory_space<hbm>>
    tpu.wait_indirect_dma semaphore(%arg7 : memref<!tpu.dma_semaphore, #tpu.memory_space<semaphore_mem>>) src(%dma_wait3A_52 : memref<4096x2048xf32, #tpu.memory_space<hbm>>) dst(%arg6 : memref<32x2048xf32, #tpu.memory_space<vmem>>)
    "tpu.region"() ({
      %run_scoped3A = tpu.sem_alloc : memref<!tpu.dma_semaphore, #tpu.memory_space<semaphore_mem>>
      %dma_start3A_71 = arith.constant 0 : i32
      %dma_start3A_72 = tpu.memref_slice %arg4[%add3A_38, %dma_start3A_71] : memref<4096x2048xf32, #tpu.memory_space<hbm>> -> memref<32x2048xf32, #tpu.memory_space<hbm>>
      %dma_start3A_73 = arith.constant 0 : i32
      %dma_start3A_74 = tpu.memref_slice %arg4[%add3A_38, %dma_start3A_73] : memref<4096x2048xf32, #tpu.memory_space<hbm>> -> memref<32x2048xf32, #tpu.memory_space<hbm>>
      tpu.enqueue_dma source(%arg6 : memref<32x2048xf32, #tpu.memory_space<vmem>>) target(%dma_start3A_74 : memref<32x2048xf32, #tpu.memory_space<hbm>>) target_semaphore(%run_scoped3A : memref<!tpu.dma_semaphore, #tpu.memory_space<semaphore_mem>>)
      %dma_wait3A_75 = arith.constant 0 : i32
      %dma_wait3A_76 = tpu.memref_slice %arg4[%add3A_38, %dma_wait3A_75] : memref<4096x2048xf32, #tpu.memory_space<hbm>> -> memref<32x2048xf32, #tpu.memory_space<hbm>>
      %dma_wait3A_77 = arith.constant 0 : i32
      %dma_wait3A_78 = tpu.memref_slice %arg4[%add3A_38, %dma_wait3A_77] : memref<4096x2048xf32, #tpu.memory_space<hbm>> -> memref<32x2048xf32, #tpu.memory_space<hbm>>
      tpu.wait_dma2 semaphore(%run_scoped3A : memref<!tpu.dma_semaphore, #tpu.memory_space<semaphore_mem>>) src(%arg6 : memref<32x2048xf32, #tpu.memory_space<vmem>>) dst(%dma_wait3A_78 : memref<32x2048xf32, #tpu.memory_space<hbm>>)
      tpu.yield
    }) : () -> ()
    %mul3A_53 = arith.constant 128 : i32
    %mul3A_54 = arith.muli %add3A, %mul3A_53 : i32
    %add3A_55 = arith.constant 96 : i32
    %add3A_56 = arith.addi %mul3A_54, %add3A_55 : i32
    %dma_start3A_57 = arith.constant 3 : i32
    %dma_start3A_58 = arith.constant 0 : i32
    %dma_start3A_59 = tpu.memref_slice %arg5[%dma_start3A_57, %dma_start3A_58] : memref<4x32xi32, #tpu.memory_space<vmem>> -> memref<1x32xi32, #tpu.memory_space<vmem>>
    %dma_start3A_60 = tpu.memref_squeeze %dma_start3A_59 : memref<1x32xi32, #tpu.memory_space<vmem>> -> memref<32xi32, #tpu.memory_space<vmem>>
    %dma_start3A_61 = arith.constant 0 : i32
    %dma_start3A_62 = arith.constant 0 : i32
    %dma_start3A_63 = tpu.memref_slice %arg2[%dma_start3A_61, %dma_start3A_62] : memref<4096x2048xf32, #tpu.memory_space<hbm>> -> memref<4096x2048xf32, #tpu.memory_space<hbm>>
    tpu.enqueue_indirect_dma source(%dma_start3A_63 : memref<4096x2048xf32, #tpu.memory_space<hbm>>) target(%arg6 : memref<32x2048xf32, #tpu.memory_space<vmem>>) offsets(%dma_start3A_60 : memref<32xi32, #tpu.memory_space<vmem>>) semaphore(%arg7 : memref<!tpu.dma_semaphore, #tpu.memory_space<semaphore_mem>>)
    %dma_wait3A_64 = arith.constant 3 : i32
    %dma_wait3A_65 = arith.constant 0 : i32
    %dma_wait3A_66 = tpu.memref_slice %arg5[%dma_wait3A_64, %dma_wait3A_65] : memref<4x32xi32, #tpu.memory_space<vmem>> -> memref<1x32xi32, #tpu.memory_space<vmem>>
    %dma_wait3A_67 = tpu.memref_squeeze %dma_wait3A_66 : memref<1x32xi32, #tpu.memory_space<vmem>> -> memref<32xi32, #tpu.memory_space<vmem>>
    %dma_wait3A_68 = arith.constant 0 : i32
    %dma_wait3A_69 = arith.constant 0 : i32
    %dma_wait3A_70 = tpu.memref_slice %arg2[%dma_wait3A_68, %dma_wait3A_69] : memref<4096x2048xf32, #tpu.memory_space<hbm>> -> memref<4096x2048xf32, #tpu.memory_space<hbm>>
    tpu.wait_indirect_dma semaphore(%arg7 : memref<!tpu.dma_semaphore, #tpu.memory_space<semaphore_mem>>) src(%dma_wait3A_70 : memref<4096x2048xf32, #tpu.memory_space<hbm>>) dst(%arg6 : memref<32x2048xf32, #tpu.memory_space<vmem>>)
    "tpu.region"() ({
      %run_scoped3A = tpu.sem_alloc : memref<!tpu.dma_semaphore, #tpu.memory_space<semaphore_mem>>
      %dma_start3A_71 = arith.constant 0 : i32
      %dma_start3A_72 = tpu.memref_slice %arg4[%add3A_56, %dma_start3A_71] : memref<4096x2048xf32, #tpu.memory_space<hbm>> -> memref<32x2048xf32, #tpu.memory_space<hbm>>
      %dma_start3A_73 = arith.constant 0 : i32
      %dma_start3A_74 = tpu.memref_slice %arg4[%add3A_56, %dma_start3A_73] : memref<4096x2048xf32, #tpu.memory_space<hbm>> -> memref<32x2048xf32, #tpu.memory_space<hbm>>
      tpu.enqueue_dma source(%arg6 : memref<32x2048xf32, #tpu.memory_space<vmem>>) target(%dma_start3A_74 : memref<32x2048xf32, #tpu.memory_space<hbm>>) target_semaphore(%run_scoped3A : memref<!tpu.dma_semaphore, #tpu.memory_space<semaphore_mem>>)
      %dma_wait3A_75 = arith.constant 0 : i32
      %dma_wait3A_76 = tpu.memref_slice %arg4[%add3A_56, %dma_wait3A_75] : memref<4096x2048xf32, #tpu.memory_space<hbm>> -> memref<32x2048xf32, #tpu.memory_space<hbm>>
      %dma_wait3A_77 = arith.constant 0 : i32
      %dma_wait3A_78 = tpu.memref_slice %arg4[%add3A_56, %dma_wait3A_77] : memref<4096x2048xf32, #tpu.memory_space<hbm>> -> memref<32x2048xf32, #tpu.memory_space<hbm>>
      tpu.wait_dma2 semaphore(%run_scoped3A : memref<!tpu.dma_semaphore, #tpu.memory_space<semaphore_mem>>) src(%arg6 : memref<32x2048xf32, #tpu.memory_space<vmem>>) dst(%dma_wait3A_78 : memref<32x2048xf32, #tpu.memory_space<hbm>>)
      tpu.yield
    }) : () -> ()
    return
  }
}

module attributes {stable_mosaic.version = 14 : i64} {
  func.func @_route_body(%arg0: memref<32x128xi32, #tpu.memory_space<vmem>>, %arg1: memref<32x128xi32, #tpu.memory_space<vmem>>, %arg2: memref<1xi32, #tpu.memory_space<smem>>) attributes {dimension_semantics = [], scalar_prefetch = 0 : i64, scratch_operands = 0 : i64, tpu.core_type = #tpu.core_type<tc>} {
    %get3A = arith.constant 0 : index
    %get3A_0 = arith.constant 0 : index
    %get3A_1 = vector.load %arg0[%get3A, %get3A_0] : memref<32x128xi32, #tpu.memory_space<vmem>>, vector<32x128xi32>
    %convert_element_type3A = arith.sitofp %get3A_1 : vector<32x128xi32> to vector<32x128xf32>
    %iota3A = tpu.iota {dimensions = array<i32: 0>} : vector<128x128xi32>
    %iota3A_2 = tpu.iota {dimensions = array<i32: 1>} : vector<128x128xi32>
    %le3A = arith.cmpi sle, %iota3A, %iota3A_2 : vector<128x128xi32>
    %convert_element_type3A_3 = arith.extui %le3A : vector<128x128xi1> to vector<128x128xi32>
    %convert_element_type3A_4 = arith.sitofp %convert_element_type3A_3 : vector<128x128xi32> to vector<128x128xf32>
    %dot_general3A = arith.constant dense<0.000000e+00> : vector<32x128xf32>
    %dot_general3A_5 = tpu.matmul %convert_element_type3A, %convert_element_type3A_4, %dot_general3A {dimension_numbers = #tpu.dot_dimension_numbers<[1], [0], [0], [1], [0, 0, 1, 1], [], []>, transpose_lhs_hint = false} : vector<32x128xf32>, vector<128x128xf32>, vector<32x128xf32> -> vector<32x128xf32>
    %slice3A = vector.extract_strided_slice %dot_general3A_5 {offsets = [0, 127], sizes = [32, 1], strides = [1, 1]} : vector<32x128xf32> to vector<32x1xf32>
    %iota3A_6 = tpu.iota {dimensions = array<i32: 0>} : vector<32x32xi32>
    %iota3A_7 = tpu.iota {dimensions = array<i32: 1>} : vector<32x32xi32>
    %lt3A = arith.cmpi slt, %iota3A_7, %iota3A_6 : vector<32x32xi32>
    %convert_element_type3A_8 = arith.extui %lt3A : vector<32x32xi1> to vector<32x32xi32>
    %convert_element_type3A_9 = arith.sitofp %convert_element_type3A_8 : vector<32x32xi32> to vector<32x32xf32>
    %dot_general3A_10 = arith.constant dense<0.000000e+00> : vector<32x1xf32>
    %dot_general3A_11 = tpu.matmul %convert_element_type3A_9, %slice3A, %dot_general3A_10 {dimension_numbers = #tpu.dot_dimension_numbers<[1], [0], [0], [1], [0, 0, 1, 1], [], []>, transpose_lhs_hint = false} : vector<32x32xf32>, vector<32x1xf32>, vector<32x1xf32> -> vector<32x1xf32>
    %add3A = vector.broadcast %dot_general3A_11 : vector<32x1xf32> to vector<32x128xf32>
    %add3A_12 = arith.addf %dot_general3A_5, %add3A : vector<32x128xf32>
    %convert_element_type3A_13 = arith.fptosi %add3A_12 : vector<32x128xf32> to vector<32x128xi32>
    %sub3A = arith.subi %convert_element_type3A_13, %get3A_1 : vector<32x128xi32>
    %reduce_max3A = vector.shape_cast %convert_element_type3A_13 : vector<32x128xi32> to vector<1x32x128xi32>
    %reduce_max3A_14 = arith.constant dense<-2147483648> : vector<1xi32>
    %reduce_max3A_15 = vector.multi_reduction <maxsi>, %reduce_max3A, %reduce_max3A_14 [1, 2] : vector<1x32x128xi32> to vector<1xi32>
    %reduce_max3A_16 = vector.shape_cast %reduce_max3A_15 : vector<1xi32> to vector<1x1x1xi32>
    %reduce_max3A_17 = vector.extract %reduce_max3A_16[0, 0, 0] : i32 from vector<1x1x1xi32>
    %sub3A_18 = arith.constant 4096 : i32
    %sub3A_19 = arith.subi %sub3A_18, %reduce_max3A_17 : i32
    %iota3A_20 = tpu.iota {dimensions = array<i32: 0>} : vector<32x128xi32>
    %mul3A = arith.constant 128 : i32
    %mul3A_21 = vector.broadcast %mul3A : i32 to vector<32x128xi32>
    %mul3A_22 = arith.muli %iota3A_20, %mul3A_21 : vector<32x128xi32>
    %iota3A_23 = tpu.iota {dimensions = array<i32: 1>} : vector<32x128xi32>
    %add3A_24 = arith.addi %mul3A_22, %iota3A_23 : vector<32x128xi32>
    %eq3A = arith.constant 0 : i32
    %eq3A_25 = vector.broadcast %eq3A : i32 to vector<32x128xi32>
    %eq3A_26 = arith.cmpi eq, %get3A_1, %eq3A_25 : vector<32x128xi32>
    %sub3A_27 = arith.subi %add3A_24, %sub3A : vector<32x128xi32>
    %add3A_28 = vector.broadcast %sub3A_19 : i32 to vector<32x128xi32>
    %add3A_29 = arith.addi %add3A_28, %sub3A : vector<32x128xi32>
    %select_n3A = arith.select %eq3A_26, %sub3A_27, %add3A_29 : vector<32x128xi1>, vector<32x128xi32>
    %swap3A = arith.constant 0 : index
    %swap3A_30 = arith.constant 0 : index
    %swap3A_31 = vector.load %arg1[%swap3A, %swap3A_30] : memref<32x128xi32, #tpu.memory_space<vmem>>, vector<32x128xi32>
    tpu.vector_store %arg1[%swap3A, %swap3A_30], %select_n3A {strides = array<i32>} : memref<32x128xi32, #tpu.memory_space<vmem>>, vector<32x128xi32>,
    %swap3A_32 = arith.constant 0 : index
    %swap3A_33 = memref.load %arg2[%swap3A_32] : memref<1xi32, #tpu.memory_space<smem>>
    memref.store %sub3A_19, %arg2[%swap3A_32] : memref<1xi32, #tpu.memory_space<smem>>
    return
  }
}

module attributes {stable_mosaic.version = 14 : i64} {
  func.func @_mlp_body(%arg0: i32, %arg1: i32, %arg2: memref<1xi32, #tpu.memory_space<smem>>, %arg3: memref<512x2048xf32, #tpu.memory_space<vmem>>, %arg4: memref<1x2048x1024xf32, #tpu.memory_space<vmem>>, %arg5: memref<1x1x1024xf32, #tpu.memory_space<vmem>>, %arg6: memref<1x1024x2048xf32, #tpu.memory_space<vmem>>, %arg7: memref<1x1x2048xf32, #tpu.memory_space<vmem>>, %arg8: memref<512x2048xf32, #tpu.memory_space<vmem>>, %arg9: memref<512x2048xf32, #tpu.memory_space<vmem>>) attributes {dimension_semantics = [#tpu.dimension_semantics<arbitrary>, #tpu.dimension_semantics<arbitrary>], iteration_bounds = array<i64: 9, 4>, scalar_prefetch = 1 : i64, scratch_operands = 1 : i64, tpu.core_type = #tpu.core_type<tc>, window_params = [{transform_indices = @transform_0, window_bounds = array<i64: 512, 2048>}, {transform_indices = @transform_1, window_bounds = array<i64: 1, 2048, 1024>}, {transform_indices = @transform_2, window_bounds = array<i64: 1, 1, 1024>}, {transform_indices = @transform_3, window_bounds = array<i64: 1, 1024, 2048>}, {transform_indices = @transform_4, window_bounds = array<i64: 1, 1, 2048>}, {transform_indices = @transform_5, window_bounds = array<i64: 512, 2048>}]} {
    %get3A = arith.constant 0 : index
    %get3A_0 = arith.constant 0 : index
    %get3A_1 = vector.load %arg3[%get3A, %get3A_0] : memref<512x2048xf32, #tpu.memory_space<vmem>>, vector<512x2048xf32>
    %get3A_2 = arith.constant 0 : index
    %get3A_3 = arith.constant 0 : index
    %get3A_4 = arith.constant 0 : index
    %get3A_5 = vector.load %arg4[%get3A_2, %get3A_3, %get3A_4] : memref<1x2048x1024xf32, #tpu.memory_space<vmem>>, vector<1x2048x1024xf32>
    %get3A_6 = vector.shape_cast %get3A_5 : vector<1x2048x1024xf32> to vector<2048x1024xf32>
    %dot_general3A = arith.constant dense<0.000000e+00> : vector<512x1024xf32>
    %dot_general3A_7 = tpu.matmul %get3A_1, %get3A_6, %dot_general3A {dimension_numbers = #tpu.dot_dimension_numbers<[1], [0], [0], [1], [0, 0, 1, 1], [], []>, transpose_lhs_hint = false} : vector<512x2048xf32>, vector<2048x1024xf32>, vector<512x1024xf32> -> vector<512x1024xf32>
    %get3A_8 = arith.constant 0 : index
    %get3A_9 = arith.constant 0 : index
    %get3A_10 = arith.constant 0 : index
    %get3A_11 = vector.load %arg5[%get3A_8, %get3A_9, %get3A_10] : memref<1x1x1024xf32, #tpu.memory_space<vmem>>, vector<1x1x1024xf32>
    %get3A_12 = vector.shape_cast %get3A_11 : vector<1x1x1024xf32> to vector<1x1024xf32>
    %add3A = vector.broadcast %get3A_12 : vector<1x1024xf32> to vector<512x1024xf32>
    %add3A_13 = arith.addf %dot_general3A_7, %add3A : vector<512x1024xf32>
    %integer_pow3A = arith.mulf %add3A_13, %add3A_13 : vector<512x1024xf32>
    %integer_pow3A_14 = arith.mulf %add3A_13, %integer_pow3A : vector<512x1024xf32>
    %mul3A = arith.constant 4.471500e-02 : f32
    %mul3A_15 = vector.broadcast %mul3A : f32 to vector<512x1024xf32>
    %mul3A_16 = arith.mulf %mul3A_15, %integer_pow3A_14 : vector<512x1024xf32>
    %add3A_17 = arith.addf %add3A_13, %mul3A_16 : vector<512x1024xf32>
    %mul3A_18 = arith.constant 0.797884583 : f32
    %mul3A_19 = vector.broadcast %mul3A_18 : f32 to vector<512x1024xf32>
    %mul3A_20 = arith.mulf %mul3A_19, %add3A_17 : vector<512x1024xf32>
    %tanh3A = math.tanh %mul3A_20 : vector<512x1024xf32>
    %add3A_21 = arith.constant 1.000000e+00 : f32
    %add3A_22 = vector.broadcast %add3A_21 : f32 to vector<512x1024xf32>
    %add3A_23 = arith.addf %add3A_22, %tanh3A : vector<512x1024xf32>
    %mul3A_24 = arith.constant 5.000000e-01 : f32
    %mul3A_25 = vector.broadcast %mul3A_24 : f32 to vector<512x1024xf32>
    %mul3A_26 = arith.mulf %mul3A_25, %add3A_23 : vector<512x1024xf32>
    %mul3A_27 = arith.mulf %add3A_13, %mul3A_26 : vector<512x1024xf32>
    %get3A_28 = arith.constant 0 : index
    %get3A_29 = arith.constant 0 : index
    %get3A_30 = arith.constant 0 : index
    %get3A_31 = vector.load %arg6[%get3A_28, %get3A_29, %get3A_30] : memref<1x1024x2048xf32, #tpu.memory_space<vmem>>, vector<1x1024x2048xf32>
    %get3A_32 = vector.shape_cast %get3A_31 : vector<1x1024x2048xf32> to vector<1024x2048xf32>
    %dot_general3A_33 = arith.constant dense<0.000000e+00> : vector<512x2048xf32>
    %dot_general3A_34 = tpu.matmul %mul3A_27, %get3A_32, %dot_general3A_33 {dimension_numbers = #tpu.dot_dimension_numbers<[1], [0], [0], [1], [0, 0, 1, 1], [], []>, transpose_lhs_hint = false} : vector<512x1024xf32>, vector<1024x2048xf32>, vector<512x2048xf32> -> vector<512x2048xf32>
    %eq3A = arith.constant 0 : i32
    %eq3A_35 = arith.cmpi eq, %arg1, %eq3A : i32
    %convert_element_type3A = arith.extui %eq3A_35 : i1 to i32
    %cond3A = arith.constant 0 : i32
    %cond3A_36 = arith.cmpi ne, %convert_element_type3A, %cond3A : i32
    scf.if %cond3A_36 {
      %swap3A = arith.constant 0 : index
      %swap3A_46 = arith.constant 0 : index
      %swap3A_47 = vector.load %arg9[%swap3A, %swap3A_46] : memref<512x2048xf32, #tpu.memory_space<vmem>>, vector<512x2048xf32>
      tpu.vector_store %arg9[%swap3A, %swap3A_46], %dot_general3A_34 {strides = array<i32>} : memref<512x2048xf32, #tpu.memory_space<vmem>>, vector<512x2048xf32>,
    } else {
    }
    %ne3A = arith.constant 0 : i32
    %ne3A_37 = arith.cmpi ne, %arg1, %ne3A : i32
    %convert_element_type3A_38 = arith.extui %ne3A_37 : i1 to i32
    %cond3A_39 = arith.constant 0 : i32
    %cond3A_40 = arith.cmpi ne, %convert_element_type3A_38, %cond3A_39 : i32
    scf.if %cond3A_40 {
      %get3A_46 = arith.constant 0 : index
      %get3A_47 = arith.constant 0 : index
      %get3A_48 = vector.load %arg9[%get3A_46, %get3A_47] : memref<512x2048xf32, #tpu.memory_space<vmem>>, vector<512x2048xf32>
      %add3A_49 = arith.addf %get3A_48, %dot_general3A_34 : vector<512x2048xf32>
      %swap3A = arith.constant 0 : index
      %swap3A_50 = arith.constant 0 : index
      %swap3A_51 = vector.load %arg9[%swap3A, %swap3A_50] : memref<512x2048xf32, #tpu.memory_space<vmem>>, vector<512x2048xf32>
      tpu.vector_store %arg9[%swap3A, %swap3A_50], %add3A_49 {strides = array<i32>} : memref<512x2048xf32, #tpu.memory_space<vmem>>, vector<512x2048xf32>,
    } else {
    }
    %eq3A_41 = arith.constant 3 : i32
    %eq3A_42 = arith.cmpi eq, %arg1, %eq3A_41 : i32
    %convert_element_type3A_43 = arith.extui %eq3A_42 : i1 to i32
    %cond3A_44 = arith.constant 0 : i32
    %cond3A_45 = arith.cmpi ne, %convert_element_type3A_43, %cond3A_44 : i32
    scf.if %cond3A_45 {
      %get3A_46 = arith.constant 0 : index
      %get3A_47 = memref.load %arg2[%get3A_46] : memref<1xi32, #tpu.memory_space<smem>>
      %add3A_48 = arith.constant 511 : i32
      %add3A_49 = arith.addi %get3A_47, %add3A_48 : i32
      %jit3A = arith.constant 512 : i32
      %div3A = arith.divsi %add3A_49, %jit3A : i32
      %sign3A = arith.constant 0 : i32
      %sign3A_50 = arith.cmpi sgt, %add3A_49, %sign3A : i32
      %sign3A_51 = arith.extui %sign3A_50 : i1 to i32
      %sign3A_52 = arith.constant 0 : i32
      %sign3A_53 = arith.cmpi slt, %add3A_49, %sign3A_52 : i32
      %sign3A_54 = arith.extui %sign3A_53 : i1 to i32
      %sign3A_55 = arith.subi %sign3A_51, %sign3A_54 : i32
      %sign3A_56 = arith.constant 0 : i32
      %sign3A_57 = arith.cmpi sgt, %jit3A, %sign3A_56 : i32
      %sign3A_58 = arith.extui %sign3A_57 : i1 to i32
      %sign3A_59 = arith.constant 0 : i32
      %sign3A_60 = arith.cmpi slt, %jit3A, %sign3A_59 : i32
      %sign3A_61 = arith.extui %sign3A_60 : i1 to i32
      %sign3A_62 = arith.subi %sign3A_58, %sign3A_61 : i32
      %ne3A_63 = arith.cmpi ne, %sign3A_55, %sign3A_62 : i32
      %rem3A = arith.remsi %add3A_49, %jit3A : i32
      %ne3A_64 = arith.constant 0 : i32
      %ne3A_65 = arith.cmpi ne, %rem3A, %ne3A_64 : i32
      %and3A = arith.andi %ne3A_63, %ne3A_65 : i1
      %sub3A = arith.constant 1 : i32
      %sub3A_66 = arith.subi %div3A, %sub3A : i32
      %select_n3A = arith.select %and3A, %sub3A_66, %div3A : i32
      %jit3A_67 = arith.constant 512 : i32
      %div3A_68 = arith.divsi %get3A_47, %jit3A_67 : i32
      %sign3A_69 = arith.constant 0 : i32
      %sign3A_70 = arith.cmpi sgt, %get3A_47, %sign3A_69 : i32
      %sign3A_71 = arith.extui %sign3A_70 : i1 to i32
      %sign3A_72 = arith.constant 0 : i32
      %sign3A_73 = arith.cmpi slt, %get3A_47, %sign3A_72 : i32
      %sign3A_74 = arith.extui %sign3A_73 : i1 to i32
      %sign3A_75 = arith.subi %sign3A_71, %sign3A_74 : i32
      %sign3A_76 = arith.constant 0 : i32
      %sign3A_77 = arith.cmpi sgt, %jit3A_67, %sign3A_76 : i32
      %sign3A_78 = arith.extui %sign3A_77 : i1 to i32
      %sign3A_79 = arith.constant 0 : i32
      %sign3A_80 = arith.cmpi slt, %jit3A_67, %sign3A_79 : i32
      %sign3A_81 = arith.extui %sign3A_80 : i1 to i32
      %sign3A_82 = arith.subi %sign3A_78, %sign3A_81 : i32
      %ne3A_83 = arith.cmpi ne, %sign3A_75, %sign3A_82 : i32
      %rem3A_84 = arith.remsi %get3A_47, %jit3A_67 : i32
      %ne3A_85 = arith.constant 0 : i32
      %ne3A_86 = arith.cmpi ne, %rem3A_84, %ne3A_85 : i32
      %and3A_87 = arith.andi %ne3A_83, %ne3A_86 : i1
      %sub3A_88 = arith.constant 1 : i32
      %sub3A_89 = arith.subi %div3A_68, %sub3A_88 : i32
      %select_n3A_90 = arith.select %and3A_87, %sub3A_89, %div3A_68 : i32
      %lt3A = arith.cmpi slt, %arg0, %select_n3A : i32
      %sub3A_91 = arith.subi %arg0, %select_n3A : i32
      %add3A_92 = arith.addi %select_n3A_90, %sub3A_91 : i32
      %select_n3A_93 = arith.select %lt3A, %arg0, %add3A_92 : i32
      %min3A = arith.constant 7 : i32
      %min3A_94 = arith.minsi %select_n3A_93, %min3A : i32
      %add3A_95 = arith.constant 511 : i32
      %add3A_96 = arith.addi %get3A_47, %add3A_95 : i32
      %jit3A_97 = arith.constant 512 : i32
      %div3A_98 = arith.divsi %add3A_96, %jit3A_97 : i32
      %sign3A_99 = arith.constant 0 : i32
      %sign3A_100 = arith.cmpi sgt, %add3A_96, %sign3A_99 : i32
      %sign3A_101 = arith.extui %sign3A_100 : i1 to i32
      %sign3A_102 = arith.constant 0 : i32
      %sign3A_103 = arith.cmpi slt, %add3A_96, %sign3A_102 : i32
      %sign3A_104 = arith.extui %sign3A_103 : i1 to i32
      %sign3A_105 = arith.subi %sign3A_101, %sign3A_104 : i32
      %sign3A_106 = arith.constant 0 : i32
      %sign3A_107 = arith.cmpi sgt, %jit3A_97, %sign3A_106 : i32
      %sign3A_108 = arith.extui %sign3A_107 : i1 to i32
      %sign3A_109 = arith.constant 0 : i32
      %sign3A_110 = arith.cmpi slt, %jit3A_97, %sign3A_109 : i32
      %sign3A_111 = arith.extui %sign3A_110 : i1 to i32
      %sign3A_112 = arith.subi %sign3A_108, %sign3A_111 : i32
      %ne3A_113 = arith.cmpi ne, %sign3A_105, %sign3A_112 : i32
      %rem3A_114 = arith.remsi %add3A_96, %jit3A_97 : i32
      %ne3A_115 = arith.constant 0 : i32
      %ne3A_116 = arith.cmpi ne, %rem3A_114, %ne3A_115 : i32
      %and3A_117 = arith.andi %ne3A_113, %ne3A_116 : i1
      %sub3A_118 = arith.constant 1 : i32
      %sub3A_119 = arith.subi %div3A_98, %sub3A_118 : i32
      %select_n3A_120 = arith.select %and3A_117, %sub3A_119, %div3A_98 : i32
      %lt3A_121 = arith.cmpi slt, %arg0, %select_n3A_120 : i32
      %jit3A_122 = arith.constant 0 : i32
      %jit3A_123 = arith.constant 1 : i32
      %select_n3A_124 = arith.select %lt3A_121, %jit3A_122, %jit3A_123 : i32
      %mul3A_125 = arith.constant 512 : i32
      %mul3A_126 = arith.muli %min3A_94, %mul3A_125 : i32
      %iota3A = tpu.iota {dimensions = array<i32: 0>} : vector<512x1xi32>
      %add3A_127 = vector.broadcast %mul3A_126 : i32 to vector<512x1xi32>
      %add3A_128 = arith.addi %add3A_127, %iota3A : vector<512x1xi32>
      %lt3A_129 = vector.broadcast %get3A_47 : i32 to vector<512x1xi32>
      %lt3A_130 = arith.cmpi slt, %add3A_128, %lt3A_129 : vector<512x1xi32>
      %eq3A_131 = arith.constant 1 : i32
      %eq3A_132 = arith.cmpi eq, %select_n3A_124, %eq3A_131 : i32
      %xor3A = vector.broadcast %eq3A_132 : i1 to vector<512x1xi1>
      %xor3A_133 = arith.xori %lt3A_130, %xor3A : vector<512x1xi1>
      %get3A_134 = arith.constant 0 : index
      %get3A_135 = arith.constant 0 : index
      %get3A_136 = vector.load %arg9[%get3A_134, %get3A_135] : memref<512x2048xf32, #tpu.memory_space<vmem>>, vector<512x2048xf32>
      %get3A_137 = arith.constant 0 : index
      %get3A_138 = arith.constant 0 : index
      %get3A_139 = arith.constant 0 : index
      %get3A_140 = vector.load %arg7[%get3A_137, %get3A_138, %get3A_139] : memref<1x1x2048xf32, #tpu.memory_space<vmem>>, vector<1x1x2048xf32>
      %get3A_141 = vector.shape_cast %get3A_140 : vector<1x1x2048xf32> to vector<1x2048xf32>
      %add3A_142 = vector.broadcast %get3A_141 : vector<1x2048xf32> to vector<512x2048xf32>
      %add3A_143 = arith.addf %get3A_136, %add3A_142 : vector<512x2048xf32>
      %get3A_144 = arith.constant 0 : index
      %get3A_145 = arith.constant 0 : index
      %get3A_146 = vector.load %arg8[%get3A_144, %get3A_145] : memref<512x2048xf32, #tpu.memory_space<vmem>>, vector<512x2048xf32>
      %broadcast_in_dim3A = vector.shape_cast %xor3A_133 : vector<512x1xi1> to vector<512x1xi1>
      %broadcast_in_dim3A_147 = vector.broadcast %broadcast_in_dim3A : vector<512x1xi1> to vector<512x2048xi1>
      %select_n3A_148 = arith.select %broadcast_in_dim3A_147, %add3A_143, %get3A_146 : vector<512x2048xi1>, vector<512x2048xf32>
      %swap3A = arith.constant 0 : index
      %swap3A_149 = arith.constant 0 : index
      %swap3A_150 = vector.load %arg8[%swap3A, %swap3A_149] : memref<512x2048xf32, #tpu.memory_space<vmem>>, vector<512x2048xf32>
      tpu.vector_store %arg8[%swap3A, %swap3A_149], %select_n3A_148 {strides = array<i32>} : memref<512x2048xf32, #tpu.memory_space<vmem>>, vector<512x2048xf32>,
    } else {
    }
    return
  }
  func.func @transform_0(%arg0: i32, %arg1: i32, %arg2: memref<1xi32, #tpu.memory_space<smem>>) -> (i32, i32) {
    %get3A = arith.constant 0 : index
    %get3A_0 = memref.load %arg2[%get3A] : memref<1xi32, #tpu.memory_space<smem>>
    %add3A = arith.constant 511 : i32
    %add3A_1 = arith.addi %get3A_0, %add3A : i32
    %jit3A = arith.constant 512 : i32
    %div3A = arith.divsi %add3A_1, %jit3A : i32
    %sign3A = arith.constant 0 : i32
    %sign3A_2 = arith.cmpi sgt, %add3A_1, %sign3A : i32
    %sign3A_3 = arith.extui %sign3A_2 : i1 to i32
    %sign3A_4 = arith.constant 0 : i32
    %sign3A_5 = arith.cmpi slt, %add3A_1, %sign3A_4 : i32
    %sign3A_6 = arith.extui %sign3A_5 : i1 to i32
    %sign3A_7 = arith.subi %sign3A_3, %sign3A_6 : i32
    %sign3A_8 = arith.constant 0 : i32
    %sign3A_9 = arith.cmpi sgt, %jit3A, %sign3A_8 : i32
    %sign3A_10 = arith.extui %sign3A_9 : i1 to i32
    %sign3A_11 = arith.constant 0 : i32
    %sign3A_12 = arith.cmpi slt, %jit3A, %sign3A_11 : i32
    %sign3A_13 = arith.extui %sign3A_12 : i1 to i32
    %sign3A_14 = arith.subi %sign3A_10, %sign3A_13 : i32
    %ne3A = arith.cmpi ne, %sign3A_7, %sign3A_14 : i32
    %rem3A = arith.remsi %add3A_1, %jit3A : i32
    %ne3A_15 = arith.constant 0 : i32
    %ne3A_16 = arith.cmpi ne, %rem3A, %ne3A_15 : i32
    %and3A = arith.andi %ne3A, %ne3A_16 : i1
    %sub3A = arith.constant 1 : i32
    %sub3A_17 = arith.subi %div3A, %sub3A : i32
    %select_n3A = arith.select %and3A, %sub3A_17, %div3A : i32
    %jit3A_18 = arith.constant 512 : i32
    %div3A_19 = arith.divsi %get3A_0, %jit3A_18 : i32
    %sign3A_20 = arith.constant 0 : i32
    %sign3A_21 = arith.cmpi sgt, %get3A_0, %sign3A_20 : i32
    %sign3A_22 = arith.extui %sign3A_21 : i1 to i32
    %sign3A_23 = arith.constant 0 : i32
    %sign3A_24 = arith.cmpi slt, %get3A_0, %sign3A_23 : i32
    %sign3A_25 = arith.extui %sign3A_24 : i1 to i32
    %sign3A_26 = arith.subi %sign3A_22, %sign3A_25 : i32
    %sign3A_27 = arith.constant 0 : i32
    %sign3A_28 = arith.cmpi sgt, %jit3A_18, %sign3A_27 : i32
    %sign3A_29 = arith.extui %sign3A_28 : i1 to i32
    %sign3A_30 = arith.constant 0 : i32
    %sign3A_31 = arith.cmpi slt, %jit3A_18, %sign3A_30 : i32
    %sign3A_32 = arith.extui %sign3A_31 : i1 to i32
    %sign3A_33 = arith.subi %sign3A_29, %sign3A_32 : i32
    %ne3A_34 = arith.cmpi ne, %sign3A_26, %sign3A_33 : i32
    %rem3A_35 = arith.remsi %get3A_0, %jit3A_18 : i32
    %ne3A_36 = arith.constant 0 : i32
    %ne3A_37 = arith.cmpi ne, %rem3A_35, %ne3A_36 : i32
    %and3A_38 = arith.andi %ne3A_34, %ne3A_37 : i1
    %sub3A_39 = arith.constant 1 : i32
    %sub3A_40 = arith.subi %div3A_19, %sub3A_39 : i32
    %select_n3A_41 = arith.select %and3A_38, %sub3A_40, %div3A_19 : i32
    %lt3A = arith.cmpi slt, %arg0, %select_n3A : i32
    %sub3A_42 = arith.subi %arg0, %select_n3A : i32
    %add3A_43 = arith.addi %select_n3A_41, %sub3A_42 : i32
    %select_n3A_44 = arith.select %lt3A, %arg0, %add3A_43 : i32
    %min3A = arith.constant 7 : i32
    %min3A_45 = arith.minsi %select_n3A_44, %min3A : i32
    %c0_i32 = arith.constant 0 : i32
    %c0_i32_46 = arith.constant 0 : i32
    return %min3A_45, %c0_i32 : i32, i32
  }
  func.func @transform_1(%arg0: i32, %arg1: i32, %arg2: memref<1xi32, #tpu.memory_space<smem>>) -> (i32, i32, i32) {
    %get3A = arith.constant 0 : index
    %get3A_0 = memref.load %arg2[%get3A] : memref<1xi32, #tpu.memory_space<smem>>
    %add3A = arith.constant 511 : i32
    %add3A_1 = arith.addi %get3A_0, %add3A : i32
    %jit3A = arith.constant 512 : i32
    %div3A = arith.divsi %add3A_1, %jit3A : i32
    %sign3A = arith.constant 0 : i32
    %sign3A_2 = arith.cmpi sgt, %add3A_1, %sign3A : i32
    %sign3A_3 = arith.extui %sign3A_2 : i1 to i32
    %sign3A_4 = arith.constant 0 : i32
    %sign3A_5 = arith.cmpi slt, %add3A_1, %sign3A_4 : i32
    %sign3A_6 = arith.extui %sign3A_5 : i1 to i32
    %sign3A_7 = arith.subi %sign3A_3, %sign3A_6 : i32
    %sign3A_8 = arith.constant 0 : i32
    %sign3A_9 = arith.cmpi sgt, %jit3A, %sign3A_8 : i32
    %sign3A_10 = arith.extui %sign3A_9 : i1 to i32
    %sign3A_11 = arith.constant 0 : i32
    %sign3A_12 = arith.cmpi slt, %jit3A, %sign3A_11 : i32
    %sign3A_13 = arith.extui %sign3A_12 : i1 to i32
    %sign3A_14 = arith.subi %sign3A_10, %sign3A_13 : i32
    %ne3A = arith.cmpi ne, %sign3A_7, %sign3A_14 : i32
    %rem3A = arith.remsi %add3A_1, %jit3A : i32
    %ne3A_15 = arith.constant 0 : i32
    %ne3A_16 = arith.cmpi ne, %rem3A, %ne3A_15 : i32
    %and3A = arith.andi %ne3A, %ne3A_16 : i1
    %sub3A = arith.constant 1 : i32
    %sub3A_17 = arith.subi %div3A, %sub3A : i32
    %select_n3A = arith.select %and3A, %sub3A_17, %div3A : i32
    %lt3A = arith.cmpi slt, %arg0, %select_n3A : i32
    %jit3A_18 = arith.constant 0 : i32
    %jit3A_19 = arith.constant 1 : i32
    %select_n3A_20 = arith.select %lt3A, %jit3A_18, %jit3A_19 : i32
    %c0_i32 = arith.constant 0 : i32
    %c0_i32_21 = arith.constant 0 : i32
    return %select_n3A_20, %c0_i32, %arg1 : i32, i32, i32
  }
  func.func @transform_2(%arg0: i32, %arg1: i32, %arg2: memref<1xi32, #tpu.memory_space<smem>>) -> (i32, i32, i32) {
    %get3A = arith.constant 0 : index
    %get3A_0 = memref.load %arg2[%get3A] : memref<1xi32, #tpu.memory_space<smem>>
    %add3A = arith.constant 511 : i32
    %add3A_1 = arith.addi %get3A_0, %add3A : i32
    %jit3A = arith.constant 512 : i32
    %div3A = arith.divsi %add3A_1, %jit3A : i32
    %sign3A = arith.constant 0 : i32
    %sign3A_2 = arith.cmpi sgt, %add3A_1, %sign3A : i32
    %sign3A_3 = arith.extui %sign3A_2 : i1 to i32
    %sign3A_4 = arith.constant 0 : i32
    %sign3A_5 = arith.cmpi slt, %add3A_1, %sign3A_4 : i32
    %sign3A_6 = arith.extui %sign3A_5 : i1 to i32
    %sign3A_7 = arith.subi %sign3A_3, %sign3A_6 : i32
    %sign3A_8 = arith.constant 0 : i32
    %sign3A_9 = arith.cmpi sgt, %jit3A, %sign3A_8 : i32
    %sign3A_10 = arith.extui %sign3A_9 : i1 to i32
    %sign3A_11 = arith.constant 0 : i32
    %sign3A_12 = arith.cmpi slt, %jit3A, %sign3A_11 : i32
    %sign3A_13 = arith.extui %sign3A_12 : i1 to i32
    %sign3A_14 = arith.subi %sign3A_10, %sign3A_13 : i32
    %ne3A = arith.cmpi ne, %sign3A_7, %sign3A_14 : i32
    %rem3A = arith.remsi %add3A_1, %jit3A : i32
    %ne3A_15 = arith.constant 0 : i32
    %ne3A_16 = arith.cmpi ne, %rem3A, %ne3A_15 : i32
    %and3A = arith.andi %ne3A, %ne3A_16 : i1
    %sub3A = arith.constant 1 : i32
    %sub3A_17 = arith.subi %div3A, %sub3A : i32
    %select_n3A = arith.select %and3A, %sub3A_17, %div3A : i32
    %lt3A = arith.cmpi slt, %arg0, %select_n3A : i32
    %jit3A_18 = arith.constant 0 : i32
    %jit3A_19 = arith.constant 1 : i32
    %select_n3A_20 = arith.select %lt3A, %jit3A_18, %jit3A_19 : i32
    %c0_i32 = arith.constant 0 : i32
    %c0_i32_21 = arith.constant 0 : i32
    return %select_n3A_20, %c0_i32, %arg1 : i32, i32, i32
  }
  func.func @transform_3(%arg0: i32, %arg1: i32, %arg2: memref<1xi32, #tpu.memory_space<smem>>) -> (i32, i32, i32) {
    %get3A = arith.constant 0 : index
    %get3A_0 = memref.load %arg2[%get3A] : memref<1xi32, #tpu.memory_space<smem>>
    %add3A = arith.constant 511 : i32
    %add3A_1 = arith.addi %get3A_0, %add3A : i32
    %jit3A = arith.constant 512 : i32
    %div3A = arith.divsi %add3A_1, %jit3A : i32
    %sign3A = arith.constant 0 : i32
    %sign3A_2 = arith.cmpi sgt, %add3A_1, %sign3A : i32
    %sign3A_3 = arith.extui %sign3A_2 : i1 to i32
    %sign3A_4 = arith.constant 0 : i32
    %sign3A_5 = arith.cmpi slt, %add3A_1, %sign3A_4 : i32
    %sign3A_6 = arith.extui %sign3A_5 : i1 to i32
    %sign3A_7 = arith.subi %sign3A_3, %sign3A_6 : i32
    %sign3A_8 = arith.constant 0 : i32
    %sign3A_9 = arith.cmpi sgt, %jit3A, %sign3A_8 : i32
    %sign3A_10 = arith.extui %sign3A_9 : i1 to i32
    %sign3A_11 = arith.constant 0 : i32
    %sign3A_12 = arith.cmpi slt, %jit3A, %sign3A_11 : i32
    %sign3A_13 = arith.extui %sign3A_12 : i1 to i32
    %sign3A_14 = arith.subi %sign3A_10, %sign3A_13 : i32
    %ne3A = arith.cmpi ne, %sign3A_7, %sign3A_14 : i32
    %rem3A = arith.remsi %add3A_1, %jit3A : i32
    %ne3A_15 = arith.constant 0 : i32
    %ne3A_16 = arith.cmpi ne, %rem3A, %ne3A_15 : i32
    %and3A = arith.andi %ne3A, %ne3A_16 : i1
    %sub3A = arith.constant 1 : i32
    %sub3A_17 = arith.subi %div3A, %sub3A : i32
    %select_n3A = arith.select %and3A, %sub3A_17, %div3A : i32
    %lt3A = arith.cmpi slt, %arg0, %select_n3A : i32
    %jit3A_18 = arith.constant 0 : i32
    %jit3A_19 = arith.constant 1 : i32
    %select_n3A_20 = arith.select %lt3A, %jit3A_18, %jit3A_19 : i32
    %c0_i32 = arith.constant 0 : i32
    %c0_i32_21 = arith.constant 0 : i32
    return %select_n3A_20, %arg1, %c0_i32 : i32, i32, i32
  }
  func.func @transform_4(%arg0: i32, %arg1: i32, %arg2: memref<1xi32, #tpu.memory_space<smem>>) -> (i32, i32, i32) {
    %get3A = arith.constant 0 : index
    %get3A_0 = memref.load %arg2[%get3A] : memref<1xi32, #tpu.memory_space<smem>>
    %add3A = arith.constant 511 : i32
    %add3A_1 = arith.addi %get3A_0, %add3A : i32
    %jit3A = arith.constant 512 : i32
    %div3A = arith.divsi %add3A_1, %jit3A : i32
    %sign3A = arith.constant 0 : i32
    %sign3A_2 = arith.cmpi sgt, %add3A_1, %sign3A : i32
    %sign3A_3 = arith.extui %sign3A_2 : i1 to i32
    %sign3A_4 = arith.constant 0 : i32
    %sign3A_5 = arith.cmpi slt, %add3A_1, %sign3A_4 : i32
    %sign3A_6 = arith.extui %sign3A_5 : i1 to i32
    %sign3A_7 = arith.subi %sign3A_3, %sign3A_6 : i32
    %sign3A_8 = arith.constant 0 : i32
    %sign3A_9 = arith.cmpi sgt, %jit3A, %sign3A_8 : i32
    %sign3A_10 = arith.extui %sign3A_9 : i1 to i32
    %sign3A_11 = arith.constant 0 : i32
    %sign3A_12 = arith.cmpi slt, %jit3A, %sign3A_11 : i32
    %sign3A_13 = arith.extui %sign3A_12 : i1 to i32
    %sign3A_14 = arith.subi %sign3A_10, %sign3A_13 : i32
    %ne3A = arith.cmpi ne, %sign3A_7, %sign3A_14 : i32
    %rem3A = arith.remsi %add3A_1, %jit3A : i32
    %ne3A_15 = arith.constant 0 : i32
    %ne3A_16 = arith.cmpi ne, %rem3A, %ne3A_15 : i32
    %and3A = arith.andi %ne3A, %ne3A_16 : i1
    %sub3A = arith.constant 1 : i32
    %sub3A_17 = arith.subi %div3A, %sub3A : i32
    %select_n3A = arith.select %and3A, %sub3A_17, %div3A : i32
    %lt3A = arith.cmpi slt, %arg0, %select_n3A : i32
    %jit3A_18 = arith.constant 0 : i32
    %jit3A_19 = arith.constant 1 : i32
    %select_n3A_20 = arith.select %lt3A, %jit3A_18, %jit3A_19 : i32
    %c0_i32 = arith.constant 0 : i32
    %c0_i32_21 = arith.constant 0 : i32
    %c0_i32_22 = arith.constant 0 : i32
    return %select_n3A_20, %c0_i32, %c0_i32_21 : i32, i32, i32
  }
  func.func @transform_5(%arg0: i32, %arg1: i32, %arg2: memref<1xi32, #tpu.memory_space<smem>>) -> (i32, i32) {
    %get3A = arith.constant 0 : index
    %get3A_0 = memref.load %arg2[%get3A] : memref<1xi32, #tpu.memory_space<smem>>
    %add3A = arith.constant 511 : i32
    %add3A_1 = arith.addi %get3A_0, %add3A : i32
    %jit3A = arith.constant 512 : i32
    %div3A = arith.divsi %add3A_1, %jit3A : i32
    %sign3A = arith.constant 0 : i32
    %sign3A_2 = arith.cmpi sgt, %add3A_1, %sign3A : i32
    %sign3A_3 = arith.extui %sign3A_2 : i1 to i32
    %sign3A_4 = arith.constant 0 : i32
    %sign3A_5 = arith.cmpi slt, %add3A_1, %sign3A_4 : i32
    %sign3A_6 = arith.extui %sign3A_5 : i1 to i32
    %sign3A_7 = arith.subi %sign3A_3, %sign3A_6 : i32
    %sign3A_8 = arith.constant 0 : i32
    %sign3A_9 = arith.cmpi sgt, %jit3A, %sign3A_8 : i32
    %sign3A_10 = arith.extui %sign3A_9 : i1 to i32
    %sign3A_11 = arith.constant 0 : i32
    %sign3A_12 = arith.cmpi slt, %jit3A, %sign3A_11 : i32
    %sign3A_13 = arith.extui %sign3A_12 : i1 to i32
    %sign3A_14 = arith.subi %sign3A_10, %sign3A_13 : i32
    %ne3A = arith.cmpi ne, %sign3A_7, %sign3A_14 : i32
    %rem3A = arith.remsi %add3A_1, %jit3A : i32
    %ne3A_15 = arith.constant 0 : i32
    %ne3A_16 = arith.cmpi ne, %rem3A, %ne3A_15 : i32
    %and3A = arith.andi %ne3A, %ne3A_16 : i1
    %sub3A = arith.constant 1 : i32
    %sub3A_17 = arith.subi %div3A, %sub3A : i32
    %select_n3A = arith.select %and3A, %sub3A_17, %div3A : i32
    %jit3A_18 = arith.constant 512 : i32
    %div3A_19 = arith.divsi %get3A_0, %jit3A_18 : i32
    %sign3A_20 = arith.constant 0 : i32
    %sign3A_21 = arith.cmpi sgt, %get3A_0, %sign3A_20 : i32
    %sign3A_22 = arith.extui %sign3A_21 : i1 to i32
    %sign3A_23 = arith.constant 0 : i32
    %sign3A_24 = arith.cmpi slt, %get3A_0, %sign3A_23 : i32
    %sign3A_25 = arith.extui %sign3A_24 : i1 to i32
    %sign3A_26 = arith.subi %sign3A_22, %sign3A_25 : i32
    %sign3A_27 = arith.constant 0 : i32
    %sign3A_28 = arith.cmpi sgt, %jit3A_18, %sign3A_27 : i32
    %sign3A_29 = arith.extui %sign3A_28 : i1 to i32
    %sign3A_30 = arith.constant 0 : i32
    %sign3A_31 = arith.cmpi slt, %jit3A_18, %sign3A_30 : i32
    %sign3A_32 = arith.extui %sign3A_31 : i1 to i32
    %sign3A_33 = arith.subi %sign3A_29, %sign3A_32 : i32
    %ne3A_34 = arith.cmpi ne, %sign3A_26, %sign3A_33 : i32
    %rem3A_35 = arith.remsi %get3A_0, %jit3A_18 : i32
    %ne3A_36 = arith.constant 0 : i32
    %ne3A_37 = arith.cmpi ne, %rem3A_35, %ne3A_36 : i32
    %and3A_38 = arith.andi %ne3A_34, %ne3A_37 : i1
    %sub3A_39 = arith.constant 1 : i32
    %sub3A_40 = arith.subi %div3A_19, %sub3A_39 : i32
    %select_n3A_41 = arith.select %and3A_38, %sub3A_40, %div3A_19 : i32
    %lt3A = arith.cmpi slt, %arg0, %select_n3A : i32
    %sub3A_42 = arith.subi %arg0, %select_n3A : i32
    %add3A_43 = arith.addi %select_n3A_41, %sub3A_42 : i32
    %select_n3A_44 = arith.select %lt3A, %arg0, %add3A_43 : i32
    %min3A = arith.constant 7 : i32
    %min3A_45 = arith.minsi %select_n3A_44, %min3A : i32
    %c0_i32 = arith.constant 0 : i32
    %c0_i32_46 = arith.constant 0 : i32
    return %min3A_45, %c0_i32 : i32, i32
  }
}

</mosaic_0001>

<sc_bundles>
// kernel: kernel.6.cloned.1.call-start
scs
__scs_entry_jumppad:
0x0: {  	(pc) =	sbr.rel $0x88, $3  }
0x1: {  	(tag) =	ssettag $0x0;
	lr =	simm.s32 $0x1  }
0x2: {  	[smem:$0x3F9B] =	sst lr;
	_ =	strace $0xD0000000  }
0x3: {  	_ = 	snop  }
0x4: {  	_ = 	snop  }
0x5: {  	_ = 	snop  }
0x6: {  	_ = 	snop  }
0x7: {  	_ = 	snop  }
__scs_overlays_trampoline_lowered:
0x8: {  	[smem:$0x3FAA] =	sst s0  }
0x9: {  	[smem:$0x3FAB] =	sst s1  }
0xa: {  	[smem:$0x3FAC] =	sst s2  }
0xb: {  	[smem:$0x3FAD] =	sst s3  }
0xc: {  	[smem:$0x3FAE] =	sst s4  }
0xd: {  	[smem:$0x3FAF] =	sst s5  }
0xe: {  	[smem:$0x3FB0] =	sst s6  }
0xf: {  	[smem:$0x3FB1] =	sst s7  }
0x10: {  	[smem:$0x3FB2] =	sst s8  }
0x11: {  	[smem:$0x3FB3] =	sst s9;
	s0 =	simm.s32 @!p0 $0x0  }
0x12: {  	s1 =	sld [smem:$0x3F99];
	s0 =	simm.s32 @p0 $0x1  }
0x13: {  	[smem:$0x3FB4] =	sst s0;
	s0 =	simm.s32 @!p1 $0x0  }
0x14: {  	s2 =	sld [smem:$0x3F98];
	s0 =	simm.s32 @p1 $0x1  }
0x15: {  	[smem:$0x3FB5] =	sst s0;
	s0 =	simm.s32 @!p2 $0x0  }
0x16: {  	s3 =	sld [smem:$0x3FDB];
	s0 =	simm.s32 @p2 $0x1  }
0x17: {  	s4 =	simm.s32 $0x1BF5;
	[smem:$0x3FB7] =	sst s0  }
0x18: {  	s0 =	sld [smem:$0x3F9A];
	_ =	swait.ge [sflag:s4], $0x0  }
0x19: {  	s7 =	sld [smem:$0x3F9B]  }
0x1a: {  	s8 =	sadd.s32 $0xFFFFE003, lr  }
0x1b: {  	s9 =	sadd.s32 $0xFFFFFEF7, lr;
	s5 =	simm.s32 $0xFFFFFFFF;
	p2 =	slt.u32 s8, $0xFFFFF086  }
0x1c: {  	p1 =	slt.u32 s9, $0xF7A;
	s5 =	simm.s32 @!p2 $0x0  }
0x1d: {  	s5 =	simm.s32 @p1 $0x1;
	p0 =	seq.s32 s7, s2  }
0x1e: {  	s7 =	smul.u32 @!p0 $0xF7A, s2;
	p2 =	seq.s32 @!p0 s5, $0x0  }
0x1f: {  	s9 =	smul.u32 $0xF7A, s1;
	s8 =	simm.s32 @!p0 $0x1BF5;
	p2 =	por !p2, p0  }
0x20: {  	[sflag:s8] =	ssyncset.s32 @!p0 $0xFFFFF086;
	s6 =	sadd.s32 @!p0 s3, s7;
	s7 =	simm.s32 @!p0 $0x108  }
0x21: {  	s3 =	sadd.s32 s3, s9;
	s6 =	sadd.s32 @!p0 $0x88, s6;
	s7 =	simm.s32 @p2 $0x1082  }
0x22: {  	[simem:s7], [sflag:s8] =	dma.local @!p0 [hbm:s6], $0xF7A  }
0x23: {  	s9 =	sor.u32 $0xD0000000, s2;
	s6 =	simm.s32 $0x108;
	_ =	swait.ge @!p0 [sflag:s8], $0x0  }
0x24: {  	s3 =	sadd.s32 $0x88, s3;
	s6 =	simm.s32 @!p1 $0x1082;
	[sflag:s4] =	ssyncset.s32 $0xFFFFF086  }
0x25: {  	[simem:s6], [sflag:s4] =	dma.local [hbm:s3], $0xF7A  }
0x26: {  	[smem:$0x3F9B] =	sst s1;
	(tag) =	ssettag s2;
	_ =	strace s9  }
0x27: {  	s1 =	sld [smem:$0x3FAB]  }
0x28: {  	s2 =	sld [smem:$0x3FAC]  }
0x29: {  	s4 =	sld [smem:$0x3FAE]  }
0x2a: {  	p0 =	seq.s32 s5, $0x0;
	s5 =	sld [smem:$0x3FAF]  }
0x2b: {  	s6 =	sld [smem:$0x3FB0]  }
0x2c: {  	s7 =	sld [smem:$0x3FB1]  }
0x2d: {  	s3 =	simm.s32 $0x108;
	s8 =	sld [smem:$0x3FB2]  }
0x2e: {  	s3 =	simm.s32 @!p0 $0x1082;
	s9 =	sld [smem:$0x3FB3]  }
0x2f: {  	lr =	sadd.s32 s0, s3;
	s0 =	sld [smem:$0x3FAA]  }
0x30: {  	s3 =	sld [smem:$0x3FAD]  }
0x31: {  	[smem:$0x3FB6] =	sst s10  }
0x32: {  	s10 =	sld [smem:$0x3FB4];
	_ =	sdelay $0x3  }
0x33: {  	p0 =	seq.s32 s10, $0x1;
	s10 =	sld [smem:$0x3FB6];
	_ =	sdelay $0x3  }
0x34: {  	[smem:$0x3FB6] =	sst s10  }
0x35: {  	s10 =	sld [smem:$0x3FB5];
	_ =	sdelay $0x3  }
0x36: {  	p1 =	seq.s32 s10, $0x1;
	s10 =	sld [smem:$0x3FB6];
	_ =	sdelay $0x3  }
0x37: {  	[smem:$0x3FB6] =	sst s10  }
0x38: {  	s10 =	sld [smem:$0x3FB7]  }
0x39: {  	_ = 	snop;
	(pc) =	sbr.ind lr, $3  }
0x3a: {  	_ = 	snop  }
0x3b: {  	_ = 	snop  }
0x3c: {  	p2 =	seq.s32 s10, $0x1;
	s10 =	sld [smem:$0x3FB6]  }
0x3d: {  	_ =	shalt  }
0x3e: {  	_ =	shalt  }
0x3f: {  	_ =	shalt  }
0x40: {  	_ =	shalt  }
0x41: {  	_ =	shalt  }
0x42: {  	_ =	shalt  }
0x43: {  	_ =	shalt  }
0x44: {  	_ =	shalt  }
0x45: {  	_ =	shalt  }
0x46: {  	_ =	shalt  }
0x47: {  	_ =	shalt  }
0x48: {  	_ =	shalt  }
0x49: {  	_ =	shalt  }
0x4a: {  	_ =	shalt  }
0x4b: {  	_ =	shalt  }
0x4c: {  	_ =	shalt  }
0x4d: {  	_ =	shalt  }
0x4e: {  	_ =	shalt  }
0x4f: {  	_ =	shalt  }
0x50: {  	_ =	shalt  }
0x51: {  	_ =	shalt  }
0x52: {  	_ =	shalt  }
0x53: {  	_ =	shalt  }
0x54: {  	_ =	shalt  }
0x55: {  	_ =	shalt  }
0x56: {  	_ =	shalt  }
0x57: {  	_ =	shalt  }
0x58: {  	_ =	shalt  }
0x59: {  	_ =	shalt  }
0x5a: {  	_ =	shalt  }
0x5b: {  	_ =	shalt  }
0x5c: {  	_ =	shalt  }
0x5d: {  	_ =	shalt  }
0x5e: {  	_ =	shalt  }
0x5f: {  	_ =	shalt  }
0x60: {  	_ =	shalt  }
0x61: {  	_ =	shalt  }
0x62: {  	_ =	shalt  }
0x63: {  	_ =	shalt  }
0x64: {  	_ =	shalt  }
0x65: {  	_ =	shalt  }
0x66: {  	_ =	shalt  }
0x67: {  	_ =	shalt  }
0x68: {  	_ =	shalt  }
0x69: {  	_ =	shalt  }
0x6a: {  	_ =	shalt  }
0x6b: {  	_ =	shalt  }
0x6c: {  	_ =	shalt  }
0x6d: {  	_ =	shalt  }
0x6e: {  	_ =	shalt  }
0x6f: {  	_ =	shalt  }
0x70: {  	_ =	shalt  }
0x71: {  	_ =	shalt  }
0x72: {  	_ =	shalt  }
0x73: {  	_ =	shalt  }
0x74: {  	_ =	shalt  }
0x75: {  	_ =	shalt  }
0x76: {  	_ =	shalt  }
0x77: {  	_ =	shalt  }
0x78: {  	_ =	shalt  }
0x79: {  	_ =	shalt  }
0x7a: {  	_ =	shalt  }
0x7b: {  	_ =	shalt  }
0x7c: {  	_ =	shalt  }
0x7d: {  	_ =	shalt  }
0x7e: {  	_ =	shalt  }
0x7f: {  	_ =	shalt  }
0x80: {  	_ =	shalt  }
0x81: {  	_ =	shalt  }
0x82: {  	_ =	shalt  }
0x83: {  	_ =	shalt  }
0x84: {  	_ =	shalt  }
0x85: {  	_ =	shalt  }
0x86: {  	_ =	shalt  }
0x87: {  	_ =	shalt  }
.Lfunc_end0:
.L_simem_size_0:
called_computation_lowered:
.L_overlay_start_0:
0x88: {  	s2 =	sld [smem:$0x3FD9]  }
0x89: {  	s3 =	sld [smem:$0x3FFE];
	_ =	sdelay $0x1  }
0x8a: {  	s1 =	srdreg.scid  }
0x8b: {  	s0 =	sand.u32 $0x1, s1  }
0x8c: {  	s17 =	sshll.u32 s0, $0xA;
	s2 =	sadd.s32 s3, s2  }
0x8d: {  	s2 =	sadd.s32 s2, s17  }
0x8e: {  	[smem:$0x3FC2] =	sst s2  }
0x8f: {  	_ = 	snop  }
0x90: {  	s2 =	sld [smem:$0x3FC9]  }
0x91: {  	s18 =	sld [smem:$0x3FD0];
	(tm) =	ssettm $0x1  }
0x92: {  	s4 =	sld [smem:$0x3FFB];
	_ =	sdelay $0x3  }
0x93: {  	_ =	strace s4  }
0x94: {  	s4 =	sld [smem:$0x3FFC];
	_ =	sdelay $0x3  }
0x95: {  	_ =	strace s4  }
0x96: {  	s4 =	sld [smem:$0x3FFD];
	_ =	sdelay $0x3  }
0x97: {  	_ =	strace s4  }
0x98: {  	_ =	strace $0x8FFFFFFF  }
0x99: {  	s19 =	sld [smem:$0x3FDB];
	_ =	sdelay $0x1  }
0x9a: {  	s5 =	simm.s32 $_scs_section_size  }
0x9b: {  	s6 =	simm.s32 $_size__tile_overlayer_lowered;
	s7 =	simm.s32 $_tile_overlayer_lowered  }
0x9c: {  	s22 =	simm.s32 $0x1BFF;
	s21 =	sshll.u32 s7, $0x1;
	s4 =	sadd.s32 s5, s19  }
0x9d: {  	s8 =	simm.s32 $0x0;
	s20 =	sshll.u32 s6, $0x1;
	s6 =	sadd.s32 s21, s4  }
0x9e: {  	[timem:s8], [sflag:s22] =	dma.local [hbm:s6], s20  }
0x9f: {  	_ =	swait.ge [sflag:s22], s20  }
0xa0: {  	s5 =	ssub.s32 $0x0, s20;
	[sflag:s22] =	ssyncset.done $0x0  }
0xa1: {  	[sflag:s22] =	ssyncadd.s32 s5;
	_ =	sdelay $0x1  }
0xa2: {  	s23 =	simm.s32 $0x1B8B  }
0xa3: {  	_ =	swait.ge [sflag:s23], $0x1  }
0xa4: {  	[sflag:s23] =	ssyncset.done $0x0  }
0xa5: {  	s25 =	simm.s32 $0x1B8E;
	s24 =	sld [smem:$0x3FFE];
	[sflag:s23] =	ssyncadd.s32 $0xFFFFFFFF  }
0xa6: {  	s26 =	simm.s32 $execute0_lowered;
	[smem:$0x3FD2] =	sst s25  }
0xa7: {  	s6 =	sshll.u32 s26, $0x1;
	_ =	strace $0x80000046;
	[dreg:$0x1] =	wrdreg $0xFFFFFFFF  }
0xa8: {  	s28 =	simm.s32 $_size_execute0_lowered;
	s4 =	sadd.s32 s4, s6;
	[dreg:$0x0] =	wrdreg $0x0  }
0xa9: {  	s6 =	sshll.u32 s28, $0x1;
	[dreg:$0x2] =	wrdreg s4  }
0xaa: {  	[dreg:$0x3] =	wrdreg s6  }
0xab: {  	[dreg:$0x4] =	wrdreg $0xC0  }
0xac: {  	_ =	task [dreg:s8], $0x5FFFF  }
0xad: {  	[dreg:$0x1] =	wrdreg $0xFFFFFFFF  }
0xae: {  	[dreg:$0x0] =	wrdreg $0x60  }
0xaf: {  	[dreg:$0x2] =	wrdreg s2  }
0xb0: {  	[dreg:$0x3] =	wrdreg s24  }
0xb1: {  	[dreg:$0x4] =	wrdreg s18  }
0xb2: {  	[dreg:$0x5] =	wrdreg $0x9  }
0xb3: {  	_ =	task.clear_ibuf [dreg:s8], $0x6FFFF;
	_ =	strace $0x90000046  }
0xb4: {  	s29 =	simm.s32 $0x9;
	_ =	strace $0x80000048  }
0xb5: {  	_ =	swait.ge [sflag:s29], $0x1  }
0xb6: {  	[sflag:s29] =	ssyncadd.s32 $0xFFFFFFFF  }
0xb7: {  	_ =	strace $0x90000048  }
0xb8: {  	_ =	sfence  }
0xb9: {  	s30 =	sld [smem:$0x0];
	_ =	sdelay $0x2  }
0xba: {  	s31 =	sshll.u32 s1, $0xD;
	s1 =	sshrl.u32 s1, $0x2  }
0xbb: {  	s3 =	sand.u32 $0x4000, s31;
	s1 =	sadd.s32 s1, s30  }
0xbc: {  	s0 =	sor.u32 s3, s0;
	s1 =	sshll.u32 s1, $0x11  }
0xbd: {  	s0 =	sor.u32 s1, s0  }
0xbe: {  	s0 =	sadd.s32 $0x8F2B, s0  }
0xbf: {  	[sflag:s0] =	ssyncadd.remote.s32 $0x1  }
0xc0: {  	_ =	sfence.sel $0xFFFF  }
0xc1: {  	[dreg:$0x0] =	wrdreg $0xFFFFFFFF;
	(pc) =	sbr.abs _section_cstart, $3  }
0xc2: {  	[dreg:$0x1] =	wrdreg $0xFFFFFFFF  }
0xc3: {  	_ =	task.clear_ibuf [dreg:s8], $0x2FFFF;
	_ =	strace $0x9FFFFFFF  }
0xc4: {  	(tm) =	ssettm $0x7FFFFFFF  }
0xc5: {  	_ =	shalt  }
tec
execute0_lowered:
.L_overlay_start_1:
0x0: {  	(tag) =	ssettag $0x1  }
0x1: {  	s0 =	rddreg [dreg:$0x0]  }
0x2: {  	s1 =	rddreg [dreg:$0x1];
	s3 =	srdreg.scid  }
0x3: {  	s5 =	stileid.u32;
	s2 =	rddreg [dreg:$0x2];
	s13 =	simm.s32 $0x2  }
0x4: {  	s14 =	simm.s32 $0x200;
	s28 =	simm.s32 $0x1;
	s30 =	simm.s32 $0xA00  }
0x5: {  	s31 =	simm.s32 $0x1200;
	s15 =	simm.s32 $0x3200;
	s16 =	simm.s32 $0x3A00  }
0x6: {  	s17 =	simm.s32 $0x4200;
	s18 =	simm.s32 $0x4A00;
	s19 =	simm.s32 $0x5200  }
0x7: {  	s20 =	simm.s32 $0x5A00;
	s21 =	simm.s32 $0x6200;
	s22 =	simm.s32 $0x6A00  }
0x8: {  	s23 =	simm.s32 $0x7200;
	s4 =	sand.u32 $0x1, s3;
	s5 =	sshll.u32 s5, $0x1  }
0x9: {  	s3 =	simm.s32 $0x0;
	s7 =	sadd.s32 $0x300, s2;
	s8 =	sadd.s32 $0x400, s2  }
0xa: {  	s9 =	sadd.s32 $0x500, s2;
	s10 =	sadd.s32 $0x600, s2;
	s11 =	sadd.s32 $0x700, s2  }
0xb: {  	s5 =	sor.u32 s4, s5;
	[smem:$0x7FF] =	sst s3;
	s4 =	ssub.s32 $0x2, s4  }
0xc: {  	s6 =	sshll.u32 s5, $0x6;
	_ =	strace $0x80000047;
	s24 =	sshrl.u32 s4, $0x1  }
0xd: {  	s5 =	sshll.u32 s5, $0xF;
	s1 =	sadd.s32 s6, s1;
	s4 =	ssub.s32 s4, s24  }
0xe: {  	s25 =	sadd.s32 s0, s5;
	s5 =	sadd.s32 $0x100, s2;
	s6 =	sadd.s32 $0x200, s2  }
0xf: {  	s24 =	simm.s32 $0x7A00;
	s1 =	sadd.s32 $0x1200, s1;
	[dreg:$0x8] =	wrdreg s25  }
0x10: {  	s0 =	sadd.s32 $0x2000, s25;
	s26 =	sadd.s32 $0x4000, s25;
	[dreg:$0x4] =	wrdreg s1  }
0x11: {  	v2 =	vlaneseq.u32;
	s29 =	sadd.s32 $0x6000, s25;
	s12 =	smax.u32 s4, $0x1;
	[dreg:$0x5] =	wrdreg s0  }
0x12: {  	vm0 =	vmmov $0xffff;
	v1 =	vshrl.u32 v2, $0x3;
	s4 =	simm.s32 $0x2A00;
	s25 =	simm.s32 $0x8200;
	[dreg:$0x6] =	wrdreg s26  }
0x13: {  	v0 =	vand.u32 $0x7, v2;
	v2 =	vor.u32 $0x8, v2;
	v1 =	vmul.u32 $0x8, v1;
	[dreg:$0x7] =	wrdreg s29;
	s1 =	simm.s32 $0x1A00;
	s26 =	simm.s32 $0x8A00  }
.LBB2_1:
0x14: {  	s29 =	rddreg [dreg:$0x4]  }
0x15: {  	[tilespmem:s3], [sflag:$0x2] =	stream.linear.gather [hbm4b:s29+s3], $0x200, $0x38;
	[tilespmem:$0x10200] =	vst v63  }
0x16: {  	_ =	swait.ge [sflag:s13], $0x200  }
0x17: {  	[sflag:s13] =	ssyncset.done $0x0  }
0x18: {  	s0 =	rddreg [dreg:$0x8];
	[sflag:s13] =	ssyncadd.s32 $0xFFFFFE00  }
0x19: {  	[tilespmem:s14], [sflag:$0x2] =	stream.linear.gather [hbm4b:s0+s3], $0x10000, $0x38;
	[tilespmem:$0x10200] =	vst v63  }
0x1a: {  	_ =	swait.ge [sflag:s13], $0x10000  }
0x1b: {  	[sflag:s13] =	ssyncset.done $0x0  }
0x1c: {  	[sflag:s13] =	ssyncadd.s32 $0xFFFF0000  }
0x1d: {  	v3 =	vld [tilespmem:$0x0];
	_ =	sdelay $0x4  }
0x1e: {  	v4 =	vshll.u32 v3, $0x4  }
0x1f: {  	v3 =	vand.u32 $0x7, v3;
	v4 =	vand.u32 $0xFFFFFF80, v4  }
0x20: {  	v3 =	vor.u32 v3, v4  }
0x21: {  	v4 =	vperm.xlane v3, v0;
	_ =	sdelay $0x1  }
0x22: {  	v4 =	vadd.s32 v1, v4;
	_ =	sdelay $0x4  }
0x23: {  	[hbm4b:s2+s3] =	stream.indirect_vreg.scatter [tilespmem:s14], [sflag:$0x1], $0x80, v4, vm0, $0xb8;
	[tilespmem:$0x10200] =	vst v63  }
0x24: {  	_ = 	snop  }
0x25: {  	[hbm4b:s5+s3] =	stream.indirect_vreg.scatter [tilespmem:s30], [sflag:$0x1], $0x80, v4, vm0, $0xb8;
	[tilespmem:$0x10200] =	vst v63  }
0x26: {  	_ = 	snop  }
0x27: {  	[hbm4b:s6+s3] =	stream.indirect_vreg.scatter [tilespmem:s31], [sflag:$0x1], $0x80, v4, vm0, $0xb8;
	[tilespmem:$0x10200] =	vst v63  }
0x28: {  	_ = 	snop  }
0x29: {  	[hbm4b:s7+s3] =	stream.indirect_vreg.scatter [tilespmem:s1], [sflag:$0x1], $0x80, v4, vm0, $0xb8;
	[tilespmem:$0x10200] =	vst v63  }
0x2a: {  	s0 =	simm.s32 $0x2200  }
0x2b: {  	[hbm4b:s8+s3] =	stream.indirect_vreg.scatter [tilespmem:s0], [sflag:$0x1], $0x80, v4, vm0, $0xb8;
	[tilespmem:$0x10200] =	vst v63  }
0x2c: {  	v3 =	vperm.xlane v3, v2  }
0x2d: {  	[hbm4b:s9+s3] =	stream.indirect_vreg.scatter [tilespmem:s4], [sflag:$0x1], $0x80, v4, vm0, $0xb8;
	[tilespmem:$0x10200] =	vst v63  }
0x2e: {  	v3 =	vadd.s32 v1, v3  }
0x2f: {  	[hbm4b:s10+s3] =	stream.indirect_vreg.scatter [tilespmem:s15], [sflag:$0x1], $0x80, v4, vm0, $0xb8;
	[tilespmem:$0x10200] =	vst v63  }
0x30: {  	_ = 	snop  }
0x31: {  	[hbm4b:s11+s3] =	stream.indirect_vreg.scatter [tilespmem:s16], [sflag:$0x1], $0x80, v4, vm0, $0xb8;
	[tilespmem:$0x10200] =	vst v63  }
0x32: {  	_ = 	snop  }
0x33: {  	[hbm4b:s2+s3] =	stream.indirect_vreg.scatter [tilespmem:s17], [sflag:$0x1], $0x80, v3, vm0, $0xb8;
	[tilespmem:$0x10200] =	vst v63  }
0x34: {  	_ = 	snop  }
0x35: {  	[hbm4b:s5+s3] =	stream.indirect_vreg.scatter [tilespmem:s18], [sflag:$0x1], $0x80, v3, vm0, $0xb8;
	[tilespmem:$0x10200] =	vst v63  }
0x36: {  	_ = 	snop  }
0x37: {  	[hbm4b:s6+s3] =	stream.indirect_vreg.scatter [tilespmem:s19], [sflag:$0x1], $0x80, v3, vm0, $0xb8;
	[tilespmem:$0x10200] =	vst v63  }
0x38: {  	_ = 	snop  }
0x39: {  	[hbm4b:s7+s3] =	stream.indirect_vreg.scatter [tilespmem:s20], [sflag:$0x1], $0x80, v3, vm0, $0xb8;
	[tilespmem:$0x10200] =	vst v63  }
0x3a: {  	_ = 	snop  }
0x3b: {  	[hbm4b:s8+s3] =	stream.indirect_vreg.scatter [tilespmem:s21], [sflag:$0x1], $0x80, v3, vm0, $0xb8;
	[tilespmem:$0x10200] =	vst v63  }
0x3c: {  	_ = 	snop  }
0x3d: {  	[hbm4b:s9+s3] =	stream.indirect_vreg.scatter [tilespmem:s22], [sflag:$0x1], $0x80, v3, vm0, $0xb8;
	[tilespmem:$0x10200] =	vst v63  }
0x3e: {  	_ = 	snop  }
0x3f: {  	[hbm4b:s10+s3] =	stream.indirect_vreg.scatter [tilespmem:s23], [sflag:$0x1], $0x80, v3, vm0, $0xb8;
	[tilespmem:$0x10200] =	vst v63  }
0x40: {  	_ = 	snop  }
0x41: {  	[hbm4b:s11+s3] =	stream.indirect_vreg.scatter [tilespmem:s24], [sflag:$0x1], $0x80, v3, vm0, $0xb8;
	[tilespmem:$0x10200] =	vst v63  }
0x42: {  	v3 =	vld [tilespmem:$0x10];
	_ =	sdelay $0x4  }
0x43: {  	v57 =	vshll.u32 v3, $0x4  }
0x44: {  	v3 =	vand.u32 $0x7, v3;
	v4 =	vand.u32 $0xFFFFFF80, v57  }
0x45: {  	v3 =	vor.u32 v3, v4  }
0x46: {  	v4 =	vperm.xlane v3, v0;
	_ =	sdelay $0x1  }
0x47: {  	v4 =	vadd.s32 v1, v4;
	_ =	sdelay $0x4  }
0x48: {  	[hbm4b:s2+s3] =	stream.indirect_vreg.scatter [tilespmem:s25], [sflag:$0x1], $0x80, v4, vm0, $0xb8;
	[tilespmem:$0x10200] =	vst v63  }
0x49: {  	_ = 	snop  }
0x4a: {  	[hbm4b:s5+s3] =	stream.indirect_vreg.scatter [tilespmem:s26], [sflag:$0x1], $0x80, v4, vm0, $0xb8;
	[tilespmem:$0x10200] =	vst v63  }
0x4b: {  	s29 =	simm.s32 $0x9200  }
0x4c: {  	[hbm4b:s6+s3] =	stream.indirect_vreg.scatter [tilespmem:s29], [sflag:$0x1], $0x80, v4, vm0, $0xb8;
	[tilespmem:$0x10200] =	vst v63  }
0x4d: {  	s29 =	simm.s32 $0x9A00  }
0x4e: {  	[hbm4b:s7+s3] =	stream.indirect_vreg.scatter [tilespmem:s29], [sflag:$0x1], $0x80, v4, vm0, $0xb8;
	[tilespmem:$0x10200] =	vst v63  }
0x4f: {  	s29 =	simm.s32 $0xA200  }
0x50: {  	[hbm4b:s8+s3] =	stream.indirect_vreg.scatter [tilespmem:s29], [sflag:$0x1], $0x80, v4, vm0, $0xb8;
	[tilespmem:$0x10200] =	vst v63  }
0x51: {  	v3 =	vperm.xlane v3, v2;
	s29 =	simm.s32 $0xAA00  }
0x52: {  	[hbm4b:s9+s3] =	stream.indirect_vreg.scatter [tilespmem:s29], [sflag:$0x1], $0x80, v4, vm0, $0xb8;
	[tilespmem:$0x10200] =	vst v63  }
0x53: {  	v3 =	vadd.s32 v1, v3;
	s29 =	simm.s32 $0xB200  }
0x54: {  	[hbm4b:s10+s3] =	stream.indirect_vreg.scatter [tilespmem:s29], [sflag:$0x1], $0x80, v4, vm0, $0xb8;
	[tilespmem:$0x10200] =	vst v63  }
0x55: {  	s29 =	simm.s32 $0xBA00  }
0x56: {  	[hbm4b:s11+s3] =	stream.indirect_vreg.scatter [tilespmem:s29], [sflag:$0x1], $0x80, v4, vm0, $0xb8;
	[tilespmem:$0x10200] =	vst v63  }
0x57: {  	s29 =	simm.s32 $0xC200  }
0x58: {  	[hbm4b:s2+s3] =	stream.indirect_vreg.scatter [tilespmem:s29], [sflag:$0x1], $0x80, v3, vm0, $0xb8;
	[tilespmem:$0x10200] =	vst v63  }
0x59: {  	s29 =	simm.s32 $0xCA00  }
0x5a: {  	[hbm4b:s5+s3] =	stream.indirect_vreg.scatter [tilespmem:s29], [sflag:$0x1], $0x80, v3, vm0, $0xb8;
	[tilespmem:$0x10200] =	vst v63  }
0x5b: {  	s29 =	simm.s32 $0xD200  }
0x5c: {  	[hbm4b:s6+s3] =	stream.indirect_vreg.scatter [tilespmem:s29], [sflag:$0x1], $0x80, v3, vm0, $0xb8;
	[tilespmem:$0x10200] =	vst v63  }
0x5d: {  	s29 =	simm.s32 $0xDA00  }
0x5e: {  	[hbm4b:s7+s3] =	stream.indirect_vreg.scatter [tilespmem:s29], [sflag:$0x1], $0x80, v3, vm0, $0xb8;
	[tilespmem:$0x10200] =	vst v63  }
0x5f: {  	s29 =	simm.s32 $0xE200  }
0x60: {  	[hbm4b:s8+s3] =	stream.indirect_vreg.scatter [tilespmem:s29], [sflag:$0x1], $0x80, v3, vm0, $0xb8;
	[tilespmem:$0x10200] =	vst v63  }
0x61: {  	s29 =	simm.s32 $0xEA00  }
0x62: {  	[hbm4b:s9+s3] =	stream.indirect_vreg.scatter [tilespmem:s29], [sflag:$0x1], $0x80, v3, vm0, $0xb8;
	[tilespmem:$0x10200] =	vst v63  }
0x63: {  	s29 =	simm.s32 $0xF200  }
0x64: {  	[hbm4b:s10+s3] =	stream.indirect_vreg.scatter [tilespmem:s29], [sflag:$0x1], $0x80, v3, vm0, $0xb8;
	[tilespmem:$0x10200] =	vst v63  }
0x65: {  	s29 =	simm.s32 $0xFA00  }
0x66: {  	[hbm4b:s11+s3] =	stream.indirect_vreg.scatter [tilespmem:s29], [sflag:$0x1], $0x80, v3, vm0, $0xb8;
	[tilespmem:$0x10200] =	vst v63  }
0x67: {  	_ =	swait.ge [sflag:s28], $0x10000  }
0x68: {  	[sflag:s28] =	ssyncset.done $0x0  }
0x69: {  	s29 =	rddreg [dreg:$0x5];
	[sflag:s28] =	ssyncadd.s32 $0xFFFF0000  }
0x6a: {  	[tilespmem:s14], [sflag:$0x2] =	stream.linear.gather [hbm4b:s29+s3], $0x10000, $0x38;
	[tilespmem:$0x10200] =	vst v63  }
0x6b: {  	_ =	swait.ge [sflag:s13], $0x10000  }
0x6c: {  	[sflag:s13] =	ssyncset.done $0x0  }
0x6d: {  	[sflag:s13] =	ssyncadd.s32 $0xFFFF0000  }
0x6e: {  	v3 =	vld [tilespmem:$0x80];
	_ =	sdelay $0x4  }
0x6f: {  	v58 =	vshll.u32 v3, $0x4  }
0x70: {  	v3 =	vand.u32 $0x7, v3;
	v4 =	vand.u32 $0xFFFFFF80, v58  }
0x71: {  	v3 =	vor.u32 v3, v4  }
0x72: {  	v4 =	vperm.xlane v3, v0;
	_ =	sdelay $0x1  }
0x73: {  	v4 =	vadd.s32 v1, v4;
	_ =	sdelay $0x4  }
0x74: {  	[hbm4b:s2+s3] =	stream.indirect_vreg.scatter [tilespmem:s14], [sflag:$0x1], $0x80, v4, vm0, $0xb8;
	[tilespmem:$0x10200] =	vst v63  }
0x75: {  	_ = 	snop  }
0x76: {  	[hbm4b:s5+s3] =	stream.indirect_vreg.scatter [tilespmem:s30], [sflag:$0x1], $0x80, v4, vm0, $0xb8;
	[tilespmem:$0x10200] =	vst v63  }
0x77: {  	_ = 	snop  }
0x78: {  	[hbm4b:s6+s3] =	stream.indirect_vreg.scatter [tilespmem:s31], [sflag:$0x1], $0x80, v4, vm0, $0xb8;
	[tilespmem:$0x10200] =	vst v63  }
0x79: {  	_ = 	snop  }
0x7a: {  	[hbm4b:s7+s3] =	stream.indirect_vreg.scatter [tilespmem:s1], [sflag:$0x1], $0x80, v4, vm0, $0xb8;
	[tilespmem:$0x10200] =	vst v63  }
0x7b: {  	_ = 	snop  }
0x7c: {  	[hbm4b:s8+s3] =	stream.indirect_vreg.scatter [tilespmem:s0], [sflag:$0x1], $0x80, v4, vm0, $0xb8;
	[tilespmem:$0x10200] =	vst v63  }
0x7d: {  	v3 =	vperm.xlane v3, v2  }
0x7e: {  	[hbm4b:s9+s3] =	stream.indirect_vreg.scatter [tilespmem:s4], [sflag:$0x1], $0x80, v4, vm0, $0xb8;
	[tilespmem:$0x10200] =	vst v63  }
0x7f: {  	v3 =	vadd.s32 v1, v3  }
0x80: {  	[hbm4b:s10+s3] =	stream.indirect_vreg.scatter [tilespmem:s15], [sflag:$0x1], $0x80, v4, vm0, $0xb8;
	[tilespmem:$0x10200] =	vst v63  }
0x81: {  	_ = 	snop  }
0x82: {  	[hbm4b:s11+s3] =	stream.indirect_vreg.scatter [tilespmem:s16], [sflag:$0x1], $0x80, v4, vm0, $0xb8;
	[tilespmem:$0x10200] =	vst v63  }
0x83: {  	_ = 	snop  }
0x84: {  	[hbm4b:s2+s3] =	stream.indirect_vreg.scatter [tilespmem:s17], [sflag:$0x1], $0x80, v3, vm0, $0xb8;
	[tilespmem:$0x10200] =	vst v63  }
0x85: {  	_ = 	snop  }
0x86: {  	[hbm4b:s5+s3] =	stream.indirect_vreg.scatter [tilespmem:s18], [sflag:$0x1], $0x80, v3, vm0, $0xb8;
	[tilespmem:$0x10200] =	vst v63  }
0x87: {  	_ = 	snop  }
0x88: {  	[hbm4b:s6+s3] =	stream.indirect_vreg.scatter [tilespmem:s19], [sflag:$0x1], $0x80, v3, vm0, $0xb8;
	[tilespmem:$0x10200] =	vst v63  }
0x89: {  	_ = 	snop  }
0x8a: {  	[hbm4b:s7+s3] =	stream.indirect_vreg.scatter [tilespmem:s20], [sflag:$0x1], $0x80, v3, vm0, $0xb8;
	[tilespmem:$0x10200] =	vst v63  }
0x8b: {  	_ = 	snop  }
0x8c: {  	[hbm4b:s8+s3] =	stream.indirect_vreg.scatter [tilespmem:s21], [sflag:$0x1], $0x80, v3, vm0, $0xb8;
	[tilespmem:$0x10200] =	vst v63  }
0x8d: {  	_ = 	snop  }
0x8e: {  	[hbm4b:s9+s3] =	stream.indirect_vreg.scatter [tilespmem:s22], [sflag:$0x1], $0x80, v3, vm0, $0xb8;
	[tilespmem:$0x10200] =	vst v63  }
0x8f: {  	_ = 	snop  }
0x90: {  	[hbm4b:s10+s3] =	stream.indirect_vreg.scatter [tilespmem:s23], [sflag:$0x1], $0x80, v3, vm0, $0xb8;
	[tilespmem:$0x10200] =	vst v63  }
0x91: {  	_ = 	snop  }
0x92: {  	[hbm4b:s11+s3] =	stream.indirect_vreg.scatter [tilespmem:s24], [sflag:$0x1], $0x80, v3, vm0, $0xb8;
	[tilespmem:$0x10200] =	vst v63  }
0x93: {  	v3 =	vld [tilespmem:$0x90];
	_ =	sdelay $0x4  }
0x94: {  	v59 =	vshll.u32 v3, $0x4  }
0x95: {  	v3 =	vand.u32 $0x7, v3;
	v4 =	vand.u32 $0xFFFFFF80, v59  }
0x96: {  	v3 =	vor.u32 v3, v4  }
0x97: {  	v4 =	vperm.xlane v3, v0;
	_ =	sdelay $0x1  }
0x98: {  	v4 =	vadd.s32 v1, v4;
	_ =	sdelay $0x4  }
0x99: {  	[hbm4b:s2+s3] =	stream.indirect_vreg.scatter [tilespmem:s25], [sflag:$0x1], $0x80, v4, vm0, $0xb8;
	[tilespmem:$0x10200] =	vst v63  }
0x9a: {  	_ = 	snop  }
0x9b: {  	[hbm4b:s5+s3] =	stream.indirect_vreg.scatter [tilespmem:s26], [sflag:$0x1], $0x80, v4, vm0, $0xb8;
	[tilespmem:$0x10200] =	vst v63  }
0x9c: {  	s29 =	simm.s32 $0x9200  }
0x9d: {  	[hbm4b:s6+s3] =	stream.indirect_vreg.scatter [tilespmem:s29], [sflag:$0x1], $0x80, v4, vm0, $0xb8;
	[tilespmem:$0x10200] =	vst v63  }
0x9e: {  	s29 =	simm.s32 $0x9A00  }
0x9f: {  	[hbm4b:s7+s3] =	stream.indirect_vreg.scatter [tilespmem:s29], [sflag:$0x1], $0x80, v4, vm0, $0xb8;
	[tilespmem:$0x10200] =	vst v63  }
0xa0: {  	s29 =	simm.s32 $0xA200  }
0xa1: {  	[hbm4b:s8+s3] =	stream.indirect_vreg.scatter [tilespmem:s29], [sflag:$0x1], $0x80, v4, vm0, $0xb8;
	[tilespmem:$0x10200] =	vst v63  }
0xa2: {  	v3 =	vperm.xlane v3, v2;
	s29 =	simm.s32 $0xAA00  }
0xa3: {  	[hbm4b:s9+s3] =	stream.indirect_vreg.scatter [tilespmem:s29], [sflag:$0x1], $0x80, v4, vm0, $0xb8;
	[tilespmem:$0x10200] =	vst v63  }
0xa4: {  	v3 =	vadd.s32 v1, v3;
	s29 =	simm.s32 $0xB200  }
0xa5: {  	[hbm4b:s10+s3] =	stream.indirect_vreg.scatter [tilespmem:s29], [sflag:$0x1], $0x80, v4, vm0, $0xb8;
	[tilespmem:$0x10200] =	vst v63  }
0xa6: {  	s29 =	simm.s32 $0xBA00  }
0xa7: {  	[hbm4b:s11+s3] =	stream.indirect_vreg.scatter [tilespmem:s29], [sflag:$0x1], $0x80, v4, vm0, $0xb8;
	[tilespmem:$0x10200] =	vst v63  }
0xa8: {  	s29 =	simm.s32 $0xC200  }
0xa9: {  	[hbm4b:s2+s3] =	stream.indirect_vreg.scatter [tilespmem:s29], [sflag:$0x1], $0x80, v3, vm0, $0xb8;
	[tilespmem:$0x10200] =	vst v63  }
0xaa: {  	s29 =	simm.s32 $0xCA00  }
0xab: {  	[hbm4b:s5+s3] =	stream.indirect_vreg.scatter [tilespmem:s29], [sflag:$0x1], $0x80, v3, vm0, $0xb8;
	[tilespmem:$0x10200] =	vst v63  }
0xac: {  	s29 =	simm.s32 $0xD200  }
0xad: {  	[hbm4b:s6+s3] =	stream.indirect_vreg.scatter [tilespmem:s29], [sflag:$0x1], $0x80, v3, vm0, $0xb8;
	[tilespmem:$0x10200] =	vst v63  }
0xae: {  	s29 =	simm.s32 $0xDA00  }
0xaf: {  	[hbm4b:s7+s3] =	stream.indirect_vreg.scatter [tilespmem:s29], [sflag:$0x1], $0x80, v3, vm0, $0xb8;
	[tilespmem:$0x10200] =	vst v63  }
0xb0: {  	s29 =	simm.s32 $0xE200  }
0xb1: {  	[hbm4b:s8+s3] =	stream.indirect_vreg.scatter [tilespmem:s29], [sflag:$0x1], $0x80, v3, vm0, $0xb8;
	[tilespmem:$0x10200] =	vst v63  }
0xb2: {  	s29 =	simm.s32 $0xEA00  }
0xb3: {  	[hbm4b:s9+s3] =	stream.indirect_vreg.scatter [tilespmem:s29], [sflag:$0x1], $0x80, v3, vm0, $0xb8;
	[tilespmem:$0x10200] =	vst v63  }
0xb4: {  	s29 =	simm.s32 $0xF200  }
0xb5: {  	[hbm4b:s10+s3] =	stream.indirect_vreg.scatter [tilespmem:s29], [sflag:$0x1], $0x80, v3, vm0, $0xb8;
	[tilespmem:$0x10200] =	vst v63  }
0xb6: {  	s29 =	simm.s32 $0xFA00  }
0xb7: {  	[hbm4b:s11+s3] =	stream.indirect_vreg.scatter [tilespmem:s29], [sflag:$0x1], $0x80, v3, vm0, $0xb8;
	[tilespmem:$0x10200] =	vst v63  }
0xb8: {  	_ =	swait.ge [sflag:s28], $0x10000  }
0xb9: {  	[sflag:s28] =	ssyncset.done $0x0  }
0xba: {  	s29 =	rddreg [dreg:$0x6];
	[sflag:s28] =	ssyncadd.s32 $0xFFFF0000  }
0xbb: {  	[tilespmem:s14], [sflag:$0x2] =	stream.linear.gather [hbm4b:s29+s3], $0x10000, $0x38;
	[tilespmem:$0x10200] =	vst v63  }
0xbc: {  	_ =	swait.ge [sflag:s13], $0x10000  }
0xbd: {  	[sflag:s13] =	ssyncset.done $0x0  }
0xbe: {  	[sflag:s13] =	ssyncadd.s32 $0xFFFF0000  }
0xbf: {  	v3 =	vld [tilespmem:$0x100];
	_ =	sdelay $0x4  }
0xc0: {  	v60 =	vshll.u32 v3, $0x4  }
0xc1: {  	v3 =	vand.u32 $0x7, v3;
	v4 =	vand.u32 $0xFFFFFF80, v60  }
0xc2: {  	v3 =	vor.u32 v3, v4  }
0xc3: {  	v4 =	vperm.xlane v3, v0;
	_ =	sdelay $0x1  }
0xc4: {  	v4 =	vadd.s32 v1, v4;
	_ =	sdelay $0x4  }
0xc5: {  	[hbm4b:s2+s3] =	stream.indirect_vreg.scatter [tilespmem:s14], [sflag:$0x1], $0x80, v4, vm0, $0xb8;
	[tilespmem:$0x10200] =	vst v63  }
0xc6: {  	_ = 	snop  }
0xc7: {  	[hbm4b:s5+s3] =	stream.indirect_vreg.scatter [tilespmem:s30], [sflag:$0x1], $0x80, v4, vm0, $0xb8;
	[tilespmem:$0x10200] =	vst v63  }
0xc8: {  	_ = 	snop  }
0xc9: {  	[hbm4b:s6+s3] =	stream.indirect_vreg.scatter [tilespmem:s31], [sflag:$0x1], $0x80, v4, vm0, $0xb8;
	[tilespmem:$0x10200] =	vst v63  }
0xca: {  	_ = 	snop  }
0xcb: {  	[hbm4b:s7+s3] =	stream.indirect_vreg.scatter [tilespmem:s1], [sflag:$0x1], $0x80, v4, vm0, $0xb8;
	[tilespmem:$0x10200] =	vst v63  }
0xcc: {  	_ = 	snop  }
0xcd: {  	[hbm4b:s8+s3] =	stream.indirect_vreg.scatter [tilespmem:s0], [sflag:$0x1], $0x80, v4, vm0, $0xb8;
	[tilespmem:$0x10200] =	vst v63  }
0xce: {  	v3 =	vperm.xlane v3, v2  }
0xcf: {  	[hbm4b:s9+s3] =	stream.indirect_vreg.scatter [tilespmem:s4], [sflag:$0x1], $0x80, v4, vm0, $0xb8;
	[tilespmem:$0x10200] =	vst v63  }
0xd0: {  	v3 =	vadd.s32 v1, v3  }
0xd1: {  	[hbm4b:s10+s3] =	stream.indirect_vreg.scatter [tilespmem:s15], [sflag:$0x1], $0x80, v4, vm0, $0xb8;
	[tilespmem:$0x10200] =	vst v63  }
0xd2: {  	_ = 	snop  }
0xd3: {  	[hbm4b:s11+s3] =	stream.indirect_vreg.scatter [tilespmem:s16], [sflag:$0x1], $0x80, v4, vm0, $0xb8;
	[tilespmem:$0x10200] =	vst v63  }
0xd4: {  	_ = 	snop  }
0xd5: {  	[hbm4b:s2+s3] =	stream.indirect_vreg.scatter [tilespmem:s17], [sflag:$0x1], $0x80, v3, vm0, $0xb8;
	[tilespmem:$0x10200] =	vst v63  }
0xd6: {  	_ = 	snop  }
0xd7: {  	[hbm4b:s5+s3] =	stream.indirect_vreg.scatter [tilespmem:s18], [sflag:$0x1], $0x80, v3, vm0, $0xb8;
	[tilespmem:$0x10200] =	vst v63  }
0xd8: {  	_ = 	snop  }
0xd9: {  	[hbm4b:s6+s3] =	stream.indirect_vreg.scatter [tilespmem:s19], [sflag:$0x1], $0x80, v3, vm0, $0xb8;
	[tilespmem:$0x10200] =	vst v63  }
0xda: {  	_ = 	snop  }
0xdb: {  	[hbm4b:s7+s3] =	stream.indirect_vreg.scatter [tilespmem:s20], [sflag:$0x1], $0x80, v3, vm0, $0xb8;
	[tilespmem:$0x10200] =	vst v63  }
0xdc: {  	_ = 	snop  }
0xdd: {  	[hbm4b:s8+s3] =	stream.indirect_vreg.scatter [tilespmem:s21], [sflag:$0x1], $0x80, v3, vm0, $0xb8;
	[tilespmem:$0x10200] =	vst v63  }
0xde: {  	_ = 	snop  }
0xdf: {  	[hbm4b:s9+s3] =	stream.indirect_vreg.scatter [tilespmem:s22], [sflag:$0x1], $0x80, v3, vm0, $0xb8;
	[tilespmem:$0x10200] =	vst v63  }
0xe0: {  	_ = 	snop  }
0xe1: {  	[hbm4b:s10+s3] =	stream.indirect_vreg.scatter [tilespmem:s23], [sflag:$0x1], $0x80, v3, vm0, $0xb8;
	[tilespmem:$0x10200] =	vst v63  }
0xe2: {  	_ = 	snop  }
0xe3: {  	[hbm4b:s11+s3] =	stream.indirect_vreg.scatter [tilespmem:s24], [sflag:$0x1], $0x80, v3, vm0, $0xb8;
	[tilespmem:$0x10200] =	vst v63  }
0xe4: {  	v3 =	vld [tilespmem:$0x110];
	_ =	sdelay $0x4  }
0xe5: {  	v61 =	vshll.u32 v3, $0x4  }
0xe6: {  	v3 =	vand.u32 $0x7, v3;
	v4 =	vand.u32 $0xFFFFFF80, v61  }
0xe7: {  	v3 =	vor.u32 v3, v4  }
0xe8: {  	v4 =	vperm.xlane v3, v0;
	_ =	sdelay $0x1  }
0xe9: {  	v4 =	vadd.s32 v1, v4;
	_ =	sdelay $0x4  }
0xea: {  	[hbm4b:s2+s3] =	stream.indirect_vreg.scatter [tilespmem:s25], [sflag:$0x1], $0x80, v4, vm0, $0xb8;
	[tilespmem:$0x10200] =	vst v63  }
0xeb: {  	_ = 	snop  }
0xec: {  	[hbm4b:s5+s3] =	stream.indirect_vreg.scatter [tilespmem:s26], [sflag:$0x1], $0x80, v4, vm0, $0xb8;
	[tilespmem:$0x10200] =	vst v63  }
0xed: {  	s29 =	simm.s32 $0x9200  }
0xee: {  	[hbm4b:s6+s3] =	stream.indirect_vreg.scatter [tilespmem:s29], [sflag:$0x1], $0x80, v4, vm0, $0xb8;
	[tilespmem:$0x10200] =	vst v63  }
0xef: {  	s29 =	simm.s32 $0x9A00  }
0xf0: {  	[hbm4b:s7+s3] =	stream.indirect_vreg.scatter [tilespmem:s29], [sflag:$0x1], $0x80, v4, vm0, $0xb8;
	[tilespmem:$0x10200] =	vst v63  }
0xf1: {  	s29 =	simm.s32 $0xA200  }
0xf2: {  	[hbm4b:s8+s3] =	stream.indirect_vreg.scatter [tilespmem:s29], [sflag:$0x1], $0x80, v4, vm0, $0xb8;
	[tilespmem:$0x10200] =	vst v63  }
0xf3: {  	v3 =	vperm.xlane v3, v2;
	s29 =	simm.s32 $0xAA00  }
0xf4: {  	[hbm4b:s9+s3] =	stream.indirect_vreg.scatter [tilespmem:s29], [sflag:$0x1], $0x80, v4, vm0, $0xb8;
	[tilespmem:$0x10200] =	vst v63  }
0xf5: {  	v3 =	vadd.s32 v1, v3;
	s29 =	simm.s32 $0xB200  }
0xf6: {  	[hbm4b:s10+s3] =	stream.indirect_vreg.scatter [tilespmem:s29], [sflag:$0x1], $0x80, v4, vm0, $0xb8;
	[tilespmem:$0x10200] =	vst v63  }
0xf7: {  	s29 =	simm.s32 $0xBA00  }
0xf8: {  	[hbm4b:s11+s3] =	stream.indirect_vreg.scatter [tilespmem:s29], [sflag:$0x1], $0x80, v4, vm0, $0xb8;
	[tilespmem:$0x10200] =	vst v63  }
0xf9: {  	s29 =	simm.s32 $0xC200  }
0xfa: {  	[hbm4b:s2+s3] =	stream.indirect_vreg.scatter [tilespmem:s29], [sflag:$0x1], $0x80, v3, vm0, $0xb8;
	[tilespmem:$0x10200] =	vst v63  }
0xfb: {  	s29 =	simm.s32 $0xCA00  }
0xfc: {  	[hbm4b:s5+s3] =	stream.indirect_vreg.scatter [tilespmem:s29], [sflag:$0x1], $0x80, v3, vm0, $0xb8;
	[tilespmem:$0x10200] =	vst v63  }
0xfd: {  	s29 =	simm.s32 $0xD200  }
0xfe: {  	[hbm4b:s6+s3] =	stream.indirect_vreg.scatter [tilespmem:s29], [sflag:$0x1], $0x80, v3, vm0, $0xb8;
	[tilespmem:$0x10200] =	vst v63  }
0xff: {  	s29 =	simm.s32 $0xDA00  }
0x100: {  	[hbm4b:s7+s3] =	stream.indirect_vreg.scatter [tilespmem:s29], [sflag:$0x1], $0x80, v3, vm0, $0xb8;
	[tilespmem:$0x10200] =	vst v63  }
0x101: {  	s29 =	simm.s32 $0xE200  }
0x102: {  	[hbm4b:s8+s3] =	stream.indirect_vreg.scatter [tilespmem:s29], [sflag:$0x1], $0x80, v3, vm0, $0xb8;
	[tilespmem:$0x10200] =	vst v63  }
0x103: {  	s29 =	simm.s32 $0xEA00  }
0x104: {  	[hbm4b:s9+s3] =	stream.indirect_vreg.scatter [tilespmem:s29], [sflag:$0x1], $0x80, v3, vm0, $0xb8;
	[tilespmem:$0x10200] =	vst v63  }
0x105: {  	s29 =	simm.s32 $0xF200  }
0x106: {  	[hbm4b:s10+s3] =	stream.indirect_vreg.scatter [tilespmem:s29], [sflag:$0x1], $0x80, v3, vm0, $0xb8;
	[tilespmem:$0x10200] =	vst v63  }
0x107: {  	s29 =	simm.s32 $0xFA00  }
0x108: {  	[hbm4b:s11+s3] =	stream.indirect_vreg.scatter [tilespmem:s29], [sflag:$0x1], $0x80, v3, vm0, $0xb8;
	[tilespmem:$0x10200] =	vst v63  }
0x109: {  	_ =	swait.ge [sflag:s28], $0x10000  }
0x10a: {  	[sflag:s28] =	ssyncset.done $0x0  }
0x10b: {  	s29 =	rddreg [dreg:$0x7];
	[sflag:s28] =	ssyncadd.s32 $0xFFFF0000  }
0x10c: {  	[tilespmem:s14], [sflag:$0x2] =	stream.linear.gather [hbm4b:s29+s3], $0x10000, $0x38;
	[tilespmem:$0x10200] =	vst v63  }
0x10d: {  	_ =	swait.ge [sflag:s13], $0x10000  }
0x10e: {  	[sflag:s13] =	ssyncset.done $0x0  }
0x10f: {  	[sflag:s13] =	ssyncadd.s32 $0xFFFF0000  }
0x110: {  	v3 =	vld [tilespmem:$0x180];
	_ =	sdelay $0x4  }
0x111: {  	v62 =	vshll.u32 v3, $0x4  }
0x112: {  	v3 =	vand.u32 $0x7, v3;
	v4 =	vand.u32 $0xFFFFFF80, v62  }
0x113: {  	v3 =	vor.u32 v3, v4  }
0x114: {  	v4 =	vperm.xlane v3, v0;
	_ =	sdelay $0x1  }
0x115: {  	v4 =	vadd.s32 v1, v4;
	_ =	sdelay $0x4  }
0x116: {  	[hbm4b:s2+s3] =	stream.indirect_vreg.scatter [tilespmem:s14], [sflag:$0x1], $0x80, v4, vm0, $0xb8;
	[tilespmem:$0x10200] =	vst v63  }
0x117: {  	_ = 	snop  }
0x118: {  	[hbm4b:s5+s3] =	stream.indirect_vreg.scatter [tilespmem:s30], [sflag:$0x1], $0x80, v4, vm0, $0xb8;
	[tilespmem:$0x10200] =	vst v63  }
0x119: {  	_ = 	snop  }
0x11a: {  	[hbm4b:s6+s3] =	stream.indirect_vreg.scatter [tilespmem:s31], [sflag:$0x1], $0x80, v4, vm0, $0xb8;
	[tilespmem:$0x10200] =	vst v63  }
0x11b: {  	_ = 	snop  }
0x11c: {  	[hbm4b:s7+s3] =	stream.indirect_vreg.scatter [tilespmem:s1], [sflag:$0x1], $0x80, v4, vm0, $0xb8;
	[tilespmem:$0x10200] =	vst v63  }
0x11d: {  	_ = 	snop  }
0x11e: {  	[hbm4b:s8+s3] =	stream.indirect_vreg.scatter [tilespmem:s0], [sflag:$0x1], $0x80, v4, vm0, $0xb8;
	[tilespmem:$0x10200] =	vst v63  }
0x11f: {  	v3 =	vperm.xlane v3, v2  }
0x120: {  	[hbm4b:s9+s3] =	stream.indirect_vreg.scatter [tilespmem:s4], [sflag:$0x1], $0x80, v4, vm0, $0xb8;
	[tilespmem:$0x10200] =	vst v63  }
0x121: {  	v3 =	vadd.s32 v1, v3  }
0x122: {  	[hbm4b:s10+s3] =	stream.indirect_vreg.scatter [tilespmem:s15], [sflag:$0x1], $0x80, v4, vm0, $0xb8;
	[tilespmem:$0x10200] =	vst v63  }
0x123: {  	_ = 	snop  }
0x124: {  	[hbm4b:s11+s3] =	stream.indirect_vreg.scatter [tilespmem:s16], [sflag:$0x1], $0x80, v4, vm0, $0xb8;
	[tilespmem:$0x10200] =	vst v63  }
0x125: {  	_ = 	snop  }
0x126: {  	[hbm4b:s2+s3] =	stream.indirect_vreg.scatter [tilespmem:s17], [sflag:$0x1], $0x80, v3, vm0, $0xb8;
	[tilespmem:$0x10200] =	vst v63  }
0x127: {  	_ = 	snop  }
0x128: {  	[hbm4b:s5+s3] =	stream.indirect_vreg.scatter [tilespmem:s18], [sflag:$0x1], $0x80, v3, vm0, $0xb8;
	[tilespmem:$0x10200] =	vst v63  }
0x129: {  	_ = 	snop  }
0x12a: {  	[hbm4b:s6+s3] =	stream.indirect_vreg.scatter [tilespmem:s19], [sflag:$0x1], $0x80, v3, vm0, $0xb8;
	[tilespmem:$0x10200] =	vst v63  }
0x12b: {  	_ = 	snop  }
0x12c: {  	[hbm4b:s7+s3] =	stream.indirect_vreg.scatter [tilespmem:s20], [sflag:$0x1], $0x80, v3, vm0, $0xb8;
	[tilespmem:$0x10200] =	vst v63  }
0x12d: {  	_ = 	snop  }
0x12e: {  	[hbm4b:s8+s3] =	stream.indirect_vreg.scatter [tilespmem:s21], [sflag:$0x1], $0x80, v3, vm0, $0xb8;
	[tilespmem:$0x10200] =	vst v63  }
0x12f: {  	_ = 	snop  }
0x130: {  	[hbm4b:s9+s3] =	stream.indirect_vreg.scatter [tilespmem:s22], [sflag:$0x1], $0x80, v3, vm0, $0xb8;
	[tilespmem:$0x10200] =	vst v63  }
0x131: {  	_ = 	snop  }
0x132: {  	[hbm4b:s10+s3] =	stream.indirect_vreg.scatter [tilespmem:s23], [sflag:$0x1], $0x80, v3, vm0, $0xb8;
	[tilespmem:$0x10200] =	vst v63  }
0x133: {  	_ = 	snop  }
0x134: {  	[hbm4b:s11+s3] =	stream.indirect_vreg.scatter [tilespmem:s24], [sflag:$0x1], $0x80, v3, vm0, $0xb8;
	[tilespmem:$0x10200] =	vst v63  }
0x135: {  	v3 =	vld [tilespmem:$0x190];
	_ =	sdelay $0x4  }
0x136: {  	v63 =	vshll.u32 v3, $0x4  }
0x137: {  	v3 =	vand.u32 $0x7, v3;
	v4 =	vand.u32 $0xFFFFFF80, v63  }
0x138: {  	v3 =	vor.u32 v3, v4  }
0x139: {  	v4 =	vperm.xlane v3, v0;
	_ =	sdelay $0x1  }
0x13a: {  	v4 =	vadd.s32 v1, v4;
	_ =	sdelay $0x4  }
0x13b: {  	[hbm4b:s2+s3] =	stream.indirect_vreg.scatter [tilespmem:s25], [sflag:$0x1], $0x80, v4, vm0, $0xb8;
	[tilespmem:$0x10200] =	vst v63  }
0x13c: {  	_ = 	snop  }
0x13d: {  	[hbm4b:s5+s3] =	stream.indirect_vreg.scatter [tilespmem:s26], [sflag:$0x1], $0x80, v4, vm0, $0xb8;
	[tilespmem:$0x10200] =	vst v63  }
0x13e: {  	s29 =	simm.s32 $0x9200  }
0x13f: {  	[hbm4b:s6+s3] =	stream.indirect_vreg.scatter [tilespmem:s29], [sflag:$0x1], $0x80, v4, vm0, $0xb8;
	[tilespmem:$0x10200] =	vst v63  }
0x140: {  	s29 =	simm.s32 $0x9A00  }
0x141: {  	[hbm4b:s7+s3] =	stream.indirect_vreg.scatter [tilespmem:s29], [sflag:$0x1], $0x80, v4, vm0, $0xb8;
	[tilespmem:$0x10200] =	vst v63  }
0x142: {  	s29 =	simm.s32 $0xA200  }
0x143: {  	[hbm4b:s8+s3] =	stream.indirect_vreg.scatter [tilespmem:s29], [sflag:$0x1], $0x80, v4, vm0, $0xb8;
	[tilespmem:$0x10200] =	vst v63  }
0x144: {  	v3 =	vperm.xlane v3, v2;
	s29 =	simm.s32 $0xAA00  }
0x145: {  	[hbm4b:s9+s3] =	stream.indirect_vreg.scatter [tilespmem:s29], [sflag:$0x1], $0x80, v4, vm0, $0xb8;
	[tilespmem:$0x10200] =	vst v63  }
0x146: {  	v3 =	vadd.s32 v1, v3;
	s29 =	simm.s32 $0xB200  }
0x147: {  	[hbm4b:s10+s3] =	stream.indirect_vreg.scatter [tilespmem:s29], [sflag:$0x1], $0x80, v4, vm0, $0xb8;
	[tilespmem:$0x10200] =	vst v63  }
0x148: {  	s29 =	simm.s32 $0xBA00  }
0x149: {  	[hbm4b:s11+s3] =	stream.indirect_vreg.scatter [tilespmem:s29], [sflag:$0x1], $0x80, v4, vm0, $0xb8;
	[tilespmem:$0x10200] =	vst v63  }
0x14a: {  	s29 =	simm.s32 $0xC200  }
0x14b: {  	[hbm4b:s2+s3] =	stream.indirect_vreg.scatter [tilespmem:s29], [sflag:$0x1], $0x80, v3, vm0, $0xb8;
	[tilespmem:$0x10200] =	vst v63  }
0x14c: {  	s29 =	simm.s32 $0xCA00  }
0x14d: {  	[hbm4b:s5+s3] =	stream.indirect_vreg.scatter [tilespmem:s29], [sflag:$0x1], $0x80, v3, vm0, $0xb8;
	[tilespmem:$0x10200] =	vst v63  }
0x14e: {  	s29 =	simm.s32 $0xD200  }
0x14f: {  	[hbm4b:s6+s3] =	stream.indirect_vreg.scatter [tilespmem:s29], [sflag:$0x1], $0x80, v3, vm0, $0xb8;
	[tilespmem:$0x10200] =	vst v63  }
0x150: {  	s29 =	simm.s32 $0xDA00  }
0x151: {  	[hbm4b:s7+s3] =	stream.indirect_vreg.scatter [tilespmem:s29], [sflag:$0x1], $0x80, v3, vm0, $0xb8;
	[tilespmem:$0x10200] =	vst v63  }
0x152: {  	s29 =	simm.s32 $0xE200  }
0x153: {  	[hbm4b:s8+s3] =	stream.indirect_vreg.scatter [tilespmem:s29], [sflag:$0x1], $0x80, v3, vm0, $0xb8;
	[tilespmem:$0x10200] =	vst v63  }
0x154: {  	s29 =	simm.s32 $0xEA00  }
0x155: {  	[hbm4b:s9+s3] =	stream.indirect_vreg.scatter [tilespmem:s29], [sflag:$0x1], $0x80, v3, vm0, $0xb8;
	[tilespmem:$0x10200] =	vst v63  }
0x156: {  	p0 =	sne.s32 s12, $0x1;
	s29 =	simm.s32 $0xF200  }
0x157: {  	[hbm4b:s10+s3] =	stream.indirect_vreg.scatter [tilespmem:s29], [sflag:$0x1], $0x80, v3, vm0, $0xb8;
	[tilespmem:$0x10200] =	vst v63  }
.Ltmp0:
0x158: {  	s29 =	simm.s32 $0xFA00;
	(pc) =	sbr.rel @p0 .LBB2_1-.Ltmp0, $4  }
0x159: {  	[hbm4b:s11+s3] =	stream.indirect_vreg.scatter [tilespmem:s29], [sflag:$0x1], $0x80, v3, vm0, $0xb8;
	[tilespmem:$0x10200] =	vst v63  }
0x15a: {  	_ =	swait.ge [sflag:s28], $0x10000  }
0x15b: {  	[sflag:s28] =	ssyncset.done $0x0  }
0x15c: {  	s12 =	sadd.s32 $0xFFFFFFFF, s12;
	[sflag:s28] =	ssyncadd.s32 $0xFFFF0000  }
0x15d: {  	_ =	sfence.sel $0x180000  }
0x15e: {  	[bflag:$0x0] =	sbarrier.arrive $0xFFFF  }
0x15f: {  	_ =	strace $0x90000047  }
0x160: {  	s0 =	stileid.u32;
	[bflag:$0x2] =	sbarrier.arrive $0xFFFF  }
0x161: {  	p0 =	sne.s32 s0, $0x0;
	s0 =	rddreg [dreg:$0x3]  }
0x162: {  	s0 =	sadd.s32 @!p0 $0x100000, s0  }
0x163: {  	[sflag:s0] =	ssyncadd.tile.s32 @!p0 $0x1;
	_ =	shalt  }
.Lfunc_end2:
_tile_overlayer_lowered:
.L_overlay_start_2:
0x164: {  	(tag) =	ssettag $0x2  }
0x165: {  	s0 =	rddreg [dreg:$0x0];
	s2 =	stileid.u32  }
0x166: {  	s1 =	rddreg [dreg:$0x1];
	p0 =	sne.s32 s2, $0x0  }
0x167: {  	s3 =	rddreg [dreg:$0x2];
	[bflag:$0x3] =	sbarrier.arrive $0xFFFF;
	s2 =	simm.s32 @!p0 $0x1C02  }
0x168: {  	[timem:s3], [sflag:s2] =	dma.local @!p0 [hbm:s0], s1  }
0x169: {  	s0 =	simm.s32 @!p0 $0x2  }
0x16a: {  	_ =	swait.ge @!p0 [sflag:s0], s1  }
0x16b: {  	s1 =	ssub.s32 @!p0 $0x0, s1;
	[sflag:s0] =	ssyncset.done @!p0 $0x0  }
0x16c: {  	[sflag:s0] =	ssyncadd.s32 @!p0 s1  }
0x16d: {  	[bflag:$0x3] =	sbarrier.arrive $0xFFFF  }
0x16e: {  	_ =	shalt  }

// kernel: kernel.9.cloned.1.call-start
scs
__scs_entry_jumppad:
0x0: {  	(pc) =	sbr.rel $0x88, $3  }
0x1: {  	(tag) =	ssettag $0x0;
	lr =	simm.s32 $0x1  }
0x2: {  	[smem:$0x3F9B] =	sst lr;
	_ =	strace $0xD0000000  }
0x3: {  	_ = 	snop  }
0x4: {  	_ = 	snop  }
0x5: {  	_ = 	snop  }
0x6: {  	_ = 	snop  }
0x7: {  	_ = 	snop  }
__scs_overlays_trampoline_lowered:
0x8: {  	[smem:$0x3FAA] =	sst s0  }
0x9: {  	[smem:$0x3FAB] =	sst s1  }
0xa: {  	[smem:$0x3FAC] =	sst s2  }
0xb: {  	[smem:$0x3FAD] =	sst s3  }
0xc: {  	[smem:$0x3FAE] =	sst s4  }
0xd: {  	[smem:$0x3FAF] =	sst s5  }
0xe: {  	[smem:$0x3FB0] =	sst s6  }
0xf: {  	[smem:$0x3FB1] =	sst s7  }
0x10: {  	[smem:$0x3FB2] =	sst s8  }
0x11: {  	[smem:$0x3FB3] =	sst s9;
	s0 =	simm.s32 @!p0 $0x0  }
0x12: {  	s1 =	sld [smem:$0x3F99];
	s0 =	simm.s32 @p0 $0x1  }
0x13: {  	[smem:$0x3FB4] =	sst s0;
	s0 =	simm.s32 @!p1 $0x0  }
0x14: {  	s2 =	sld [smem:$0x3F98];
	s0 =	simm.s32 @p1 $0x1  }
0x15: {  	[smem:$0x3FB5] =	sst s0;
	s0 =	simm.s32 @!p2 $0x0  }
0x16: {  	s3 =	sld [smem:$0x3FDB];
	s0 =	simm.s32 @p2 $0x1  }
0x17: {  	s4 =	simm.s32 $0x1BF5;
	[smem:$0x3FB7] =	sst s0  }
0x18: {  	s0 =	sld [smem:$0x3F9A];
	_ =	swait.ge [sflag:s4], $0x0  }
0x19: {  	s7 =	sld [smem:$0x3F9B]  }
0x1a: {  	s8 =	sadd.s32 $0xFFFFE003, lr  }
0x1b: {  	s9 =	sadd.s32 $0xFFFFFEF7, lr;
	s5 =	simm.s32 $0xFFFFFFFF;
	p2 =	slt.u32 s8, $0xFFFFF086  }
0x1c: {  	p1 =	slt.u32 s9, $0xF7A;
	s5 =	simm.s32 @!p2 $0x0  }
0x1d: {  	s5 =	simm.s32 @p1 $0x1;
	p0 =	seq.s32 s7, s2  }
0x1e: {  	s7 =	smul.u32 @!p0 $0xF7A, s2;
	p2 =	seq.s32 @!p0 s5, $0x0  }
0x1f: {  	s9 =	smul.u32 $0xF7A, s1;
	s8 =	simm.s32 @!p0 $0x1BF5;
	p2 =	por !p2, p0  }
0x20: {  	[sflag:s8] =	ssyncset.s32 @!p0 $0xFFFFF086;
	s6 =	sadd.s32 @!p0 s3, s7;
	s7 =	simm.s32 @!p0 $0x108  }
0x21: {  	s3 =	sadd.s32 s3, s9;
	s6 =	sadd.s32 @!p0 $0x88, s6;
	s7 =	simm.s32 @p2 $0x1082  }
0x22: {  	[simem:s7], [sflag:s8] =	dma.local @!p0 [hbm:s6], $0xF7A  }
0x23: {  	s9 =	sor.u32 $0xD0000000, s2;
	s6 =	simm.s32 $0x108;
	_ =	swait.ge @!p0 [sflag:s8], $0x0  }
0x24: {  	s3 =	sadd.s32 $0x88, s3;
	s6 =	simm.s32 @!p1 $0x1082;
	[sflag:s4] =	ssyncset.s32 $0xFFFFF086  }
0x25: {  	[simem:s6], [sflag:s4] =	dma.local [hbm:s3], $0xF7A  }
0x26: {  	[smem:$0x3F9B] =	sst s1;
	(tag) =	ssettag s2;
	_ =	strace s9  }
0x27: {  	s1 =	sld [smem:$0x3FAB]  }
0x28: {  	s2 =	sld [smem:$0x3FAC]  }
0x29: {  	s4 =	sld [smem:$0x3FAE]  }
0x2a: {  	p0 =	seq.s32 s5, $0x0;
	s5 =	sld [smem:$0x3FAF]  }
0x2b: {  	s6 =	sld [smem:$0x3FB0]  }
0x2c: {  	s7 =	sld [smem:$0x3FB1]  }
0x2d: {  	s3 =	simm.s32 $0x108;
	s8 =	sld [smem:$0x3FB2]  }
0x2e: {  	s3 =	simm.s32 @!p0 $0x1082;
	s9 =	sld [smem:$0x3FB3]  }
0x2f: {  	lr =	sadd.s32 s0, s3;
	s0 =	sld [smem:$0x3FAA]  }
0x30: {  	s3 =	sld [smem:$0x3FAD]  }
0x31: {  	[smem:$0x3FB6] =	sst s10  }
0x32: {  	s10 =	sld [smem:$0x3FB4];
	_ =	sdelay $0x3  }
0x33: {  	p0 =	seq.s32 s10, $0x1;
	s10 =	sld [smem:$0x3FB6];
	_ =	sdelay $0x3  }
0x34: {  	[smem:$0x3FB6] =	sst s10  }
0x35: {  	s10 =	sld [smem:$0x3FB5];
	_ =	sdelay $0x3  }
0x36: {  	p1 =	seq.s32 s10, $0x1;
	s10 =	sld [smem:$0x3FB6];
	_ =	sdelay $0x3  }
0x37: {  	[smem:$0x3FB6] =	sst s10  }
0x38: {  	s10 =	sld [smem:$0x3FB7]  }
0x39: {  	_ = 	snop;
	(pc) =	sbr.ind lr, $3  }
0x3a: {  	_ = 	snop  }
0x3b: {  	_ = 	snop  }
0x3c: {  	p2 =	seq.s32 s10, $0x1;
	s10 =	sld [smem:$0x3FB6]  }
0x3d: {  	_ =	shalt  }
0x3e: {  	_ =	shalt  }
0x3f: {  	_ =	shalt  }
0x40: {  	_ =	shalt  }
0x41: {  	_ =	shalt  }
0x42: {  	_ =	shalt  }
0x43: {  	_ =	shalt  }
0x44: {  	_ =	shalt  }
0x45: {  	_ =	shalt  }
0x46: {  	_ =	shalt  }
0x47: {  	_ =	shalt  }
0x48: {  	_ =	shalt  }
0x49: {  	_ =	shalt  }
0x4a: {  	_ =	shalt  }
0x4b: {  	_ =	shalt  }
0x4c: {  	_ =	shalt  }
0x4d: {  	_ =	shalt  }
0x4e: {  	_ =	shalt  }
0x4f: {  	_ =	shalt  }
0x50: {  	_ =	shalt  }
0x51: {  	_ =	shalt  }
0x52: {  	_ =	shalt  }
0x53: {  	_ =	shalt  }
0x54: {  	_ =	shalt  }
0x55: {  	_ =	shalt  }
0x56: {  	_ =	shalt  }
0x57: {  	_ =	shalt  }
0x58: {  	_ =	shalt  }
0x59: {  	_ =	shalt  }
0x5a: {  	_ =	shalt  }
0x5b: {  	_ =	shalt  }
0x5c: {  	_ =	shalt  }
0x5d: {  	_ =	shalt  }
0x5e: {  	_ =	shalt  }
0x5f: {  	_ =	shalt  }
0x60: {  	_ =	shalt  }
0x61: {  	_ =	shalt  }
0x62: {  	_ =	shalt  }
0x63: {  	_ =	shalt  }
0x64: {  	_ =	shalt  }
0x65: {  	_ =	shalt  }
0x66: {  	_ =	shalt  }
0x67: {  	_ =	shalt  }
0x68: {  	_ =	shalt  }
0x69: {  	_ =	shalt  }
0x6a: {  	_ =	shalt  }
0x6b: {  	_ =	shalt  }
0x6c: {  	_ =	shalt  }
0x6d: {  	_ =	shalt  }
0x6e: {  	_ =	shalt  }
0x6f: {  	_ =	shalt  }
0x70: {  	_ =	shalt  }
0x71: {  	_ =	shalt  }
0x72: {  	_ =	shalt  }
0x73: {  	_ =	shalt  }
0x74: {  	_ =	shalt  }
0x75: {  	_ =	shalt  }
0x76: {  	_ =	shalt  }
0x77: {  	_ =	shalt  }
0x78: {  	_ =	shalt  }
0x79: {  	_ =	shalt  }
0x7a: {  	_ =	shalt  }
0x7b: {  	_ =	shalt  }
0x7c: {  	_ =	shalt  }
0x7d: {  	_ =	shalt  }
0x7e: {  	_ =	shalt  }
0x7f: {  	_ =	shalt  }
0x80: {  	_ =	shalt  }
0x81: {  	_ =	shalt  }
0x82: {  	_ =	shalt  }
0x83: {  	_ =	shalt  }
0x84: {  	_ =	shalt  }
0x85: {  	_ =	shalt  }
0x86: {  	_ =	shalt  }
0x87: {  	_ =	shalt  }
.Lfunc_end0:
.L_simem_size_0:
called_computation.1_lowered:
.L_overlay_start_0:
0x88: {  	s2 =	sld [smem:$0x3FD9]  }
0x89: {  	s3 =	sld [smem:$0x3FFE];
	_ =	sdelay $0x1  }
0x8a: {  	s1 =	srdreg.scid  }
0x8b: {  	s0 =	sand.u32 $0x1, s1  }
0x8c: {  	s17 =	sshll.u32 s0, $0xA;
	s2 =	sadd.s32 s3, s2  }
0x8d: {  	s2 =	sadd.s32 s2, s17  }
0x8e: {  	[smem:$0x3FC2] =	sst s2  }
0x8f: {  	_ = 	snop  }
0x90: {  	s2 =	sld [smem:$0x3FD0];
	(tm) =	ssettm $0x1  }
0x91: {  	s18 =	sld [smem:$0x3FFB];
	_ =	sdelay $0x3  }
0x92: {  	_ =	strace s18  }
0x93: {  	s3 =	sld [smem:$0x3FFC];
	_ =	sdelay $0x3  }
0x94: {  	_ =	strace s3  }
0x95: {  	s3 =	sld [smem:$0x3FFD];
	_ =	sdelay $0x3  }
0x96: {  	_ =	strace s3  }
0x97: {  	_ =	strace $0x8FFFFFFF  }
0x98: {  	s19 =	sld [smem:$0x3FDB];
	_ =	sdelay $0x1  }
0x99: {  	s4 =	simm.s32 $_scs_section_size  }
0x9a: {  	s5 =	simm.s32 $_size__tile_overlayer_lowered;
	s6 =	simm.s32 $_tile_overlayer_lowered  }
0x9b: {  	s22 =	simm.s32 $0x1BFF;
	s21 =	sshll.u32 s6, $0x1;
	s3 =	sadd.s32 s4, s19  }
0x9c: {  	s7 =	simm.s32 $0x0;
	s20 =	sshll.u32 s5, $0x1;
	s5 =	sadd.s32 s21, s3  }
0x9d: {  	[timem:s7], [sflag:s22] =	dma.local [hbm:s5], s20  }
0x9e: {  	_ =	swait.ge [sflag:s22], s20  }
0x9f: {  	s4 =	ssub.s32 $0x0, s20;
	[sflag:s22] =	ssyncset.done $0x0  }
0xa0: {  	[sflag:s22] =	ssyncadd.s32 s4;
	_ =	sdelay $0x1  }
0xa1: {  	s23 =	simm.s32 $0x1B8B  }
0xa2: {  	_ =	swait.ge [sflag:s23], $0x1  }
0xa3: {  	[sflag:s23] =	ssyncset.done $0x0  }
0xa4: {  	s25 =	simm.s32 $0x1B8E;
	s24 =	sld [smem:$0x3FFE];
	[sflag:s23] =	ssyncadd.s32 $0xFFFFFFFF  }
0xa5: {  	s26 =	simm.s32 $execute0_lowered;
	[smem:$0x3FD2] =	sst s25  }
0xa6: {  	s5 =	sshll.u32 s26, $0x1;
	_ =	strace $0x80000049;
	[dreg:$0x1] =	wrdreg $0xFFFFFFFF  }
0xa7: {  	s28 =	simm.s32 $_size_execute0_lowered;
	s3 =	sadd.s32 s3, s5;
	[dreg:$0x0] =	wrdreg $0x0  }
0xa8: {  	s5 =	sshll.u32 s28, $0x1;
	[dreg:$0x2] =	wrdreg s3  }
0xa9: {  	[dreg:$0x3] =	wrdreg s5  }
0xaa: {  	[dreg:$0x4] =	wrdreg $0xC0  }
0xab: {  	_ =	task [dreg:s7], $0x5FFFF  }
0xac: {  	[dreg:$0x1] =	wrdreg $0xFFFFFFFF  }
0xad: {  	[dreg:$0x0] =	wrdreg $0x60  }
0xae: {  	[dreg:$0x2] =	wrdreg s24  }
0xaf: {  	[dreg:$0x3] =	wrdreg s2  }
0xb0: {  	[dreg:$0x4] =	wrdreg $0x9  }
0xb1: {  	_ =	task.clear_ibuf [dreg:s7], $0x5FFFF;
	_ =	strace $0x90000049  }
0xb2: {  	s29 =	simm.s32 $0x9;
	_ =	strace $0x8000004B  }
0xb3: {  	_ =	swait.ge [sflag:s29], $0x1  }
0xb4: {  	[sflag:s29] =	ssyncadd.s32 $0xFFFFFFFF  }
0xb5: {  	_ =	strace $0x9000004B  }
0xb6: {  	_ =	sfence  }
0xb7: {  	s30 =	sld [smem:$0x0];
	_ =	sdelay $0x2  }
0xb8: {  	s31 =	sshll.u32 s1, $0xD;
	s1 =	sshrl.u32 s1, $0x2  }
0xb9: {  	s3 =	sand.u32 $0x4000, s31;
	s1 =	sadd.s32 s1, s30  }
0xba: {  	s0 =	sor.u32 s3, s0;
	s1 =	sshll.u32 s1, $0x11  }
0xbb: {  	s0 =	sor.u32 s1, s0  }
0xbc: {  	s0 =	sadd.s32 $0x8F2B, s0  }
0xbd: {  	[sflag:s0] =	ssyncadd.remote.s32 $0x1  }
0xbe: {  	_ =	sfence.sel $0xFFFF  }
0xbf: {  	[dreg:$0x0] =	wrdreg $0xFFFFFFFF;
	(pc) =	sbr.abs _section_cstart, $3  }
0xc0: {  	[dreg:$0x1] =	wrdreg $0xFFFFFFFF  }
0xc1: {  	_ =	task.clear_ibuf [dreg:s7], $0x2FFFF;
	_ =	strace $0x9FFFFFFF  }
0xc2: {  	(tm) =	ssettm $0x7FFFFFFF  }
0xc3: {  	_ =	shalt  }
tec
execute0_lowered:
.L_overlay_start_1:
0x0: {  	(tag) =	ssettag $0x1  }
0x1: {  	s0 =	rddreg [dreg:$0x0]  }
0x2: {  	s1 =	srdreg.scid;
	s2 =	stileid.u32  }
0x3: {  	s7 =	rddreg [dreg:$0x1];
	s13 =	simm.s32 $0x2;
	s14 =	simm.s32 $0x200  }
0x4: {  	s28 =	simm.s32 $0x1;
	s30 =	simm.s32 $0xA00;
	s31 =	simm.s32 $0x1200  }
0x5: {  	s15 =	simm.s32 $0x3200;
	s16 =	simm.s32 $0x3A00;
	s17 =	simm.s32 $0x4200  }
0x6: {  	s18 =	simm.s32 $0x4A00;
	s19 =	simm.s32 $0x5200;
	s20 =	simm.s32 $0x5A00  }
0x7: {  	s21 =	simm.s32 $0x6200;
	s22 =	simm.s32 $0x6A00;
	s23 =	simm.s32 $0x7200  }
0x8: {  	s24 =	simm.s32 $0x7A00;
	s25 =	simm.s32 $0x8200;
	s1 =	sand.u32 $0x1, s1  }
0x9: {  	s3 =	sshll.u32 s2, $0x1;
	s2 =	simm.s32 $0x0;
	s9 =	sadd.s32 $0x2500, s0  }
0xa: {  	s10 =	sadd.s32 $0x2600, s0;
	s11 =	sadd.s32 $0x2700, s0;
	s5 =	sor.u32 s1, s3  }
0xb: {  	[smem:$0x7FF] =	sst s2;
	s1 =	ssub.s32 $0x2, s1;
	s3 =	sshll.u32 s5, $0x6  }
0xc: {  	_ =	strace $0x8000004A;
	s6 =	sshrl.u32 s1, $0x1;
	s8 =	sshll.u32 s5, $0xF  }
0xd: {  	s5 =	sadd.s32 $0x2200, s0;
	s4 =	sadd.s32 s3, s0;
	s3 =	sadd.s32 $0x2000, s0  }
0xe: {  	s1 =	ssub.s32 s1, s6;
	s6 =	sadd.s32 $0x2300, s0;
	s12 =	sadd.s32 s7, s8  }
0xf: {  	s8 =	sadd.s32 $0x2400, s0;
	s4 =	sadd.s32 $0x1200, s4;
	[dreg:$0x7] =	wrdreg s12  }
0x10: {  	s7 =	sadd.s32 $0x2000, s12;
	s26 =	sadd.s32 $0x4000, s12;
	[dreg:$0x3] =	wrdreg s4  }
0x11: {  	v2 =	vlaneseq.u32;
	s29 =	sadd.s32 $0x6000, s12;
	s12 =	smax.u32 s1, $0x1;
	[dreg:$0x4] =	wrdreg s7  }
0x12: {  	vm0 =	vmmov $0xffff;
	v1 =	vshrl.u32 v2, $0x3;
	s1 =	simm.s32 $0x1A00;
	s4 =	sadd.s32 $0x2100, s0;
	[dreg:$0x5] =	wrdreg s26  }
0x13: {  	v0 =	vand.u32 $0x7, v2;
	v2 =	vor.u32 $0x8, v2;
	v1 =	vmul.u32 $0x8, v1;
	[dreg:$0x6] =	wrdreg s29;
	s7 =	simm.s32 $0x2A00;
	s26 =	simm.s32 $0x8A00  }
.LBB2_1:
0x14: {  	s29 =	rddreg [dreg:$0x3]  }
0x15: {  	[tilespmem:s2], [sflag:$0x2] =	stream.linear.gather [hbm4b:s29+s2], $0x200, $0x38;
	[tilespmem:$0x10200] =	vst v63  }
0x16: {  	_ =	swait.ge [sflag:s13], $0x200  }
0x17: {  	[sflag:s13] =	ssyncset.done $0x0  }
0x18: {  	[sflag:s13] =	ssyncadd.s32 $0xFFFFFE00  }
0x19: {  	v3 =	vld [tilespmem:$0x0];
	_ =	sdelay $0x4  }
0x1a: {  	v4 =	vshll.u32 v3, $0x4  }
0x1b: {  	v3 =	vand.u32 $0x7, v3;
	v4 =	vand.u32 $0xFFFFFF80, v4  }
0x1c: {  	v3 =	vor.u32 v3, v4  }
0x1d: {  	v4 =	vperm.xlane v3, v0;
	_ =	sdelay $0x1  }
0x1e: {  	v4 =	vadd.s32 v1, v4;
	_ =	sdelay $0x4  }
0x1f: {  	[tilespmem:s14], [sflag:$0x1] =	stream.indirect_vreg.gather [hbm4b:s3+s2], $0x80, v4, vm0, $0xb8;
	[tilespmem:$0x10200] =	vst v63  }
0x20: {  	_ = 	snop  }
0x21: {  	[tilespmem:s30], [sflag:$0x1] =	stream.indirect_vreg.gather [hbm4b:s4+s2], $0x80, v4, vm0, $0xb8;
	[tilespmem:$0x10200] =	vst v63  }
0x22: {  	_ = 	snop  }
0x23: {  	[tilespmem:s31], [sflag:$0x1] =	stream.indirect_vreg.gather [hbm4b:s5+s2], $0x80, v4, vm0, $0xb8;
	[tilespmem:$0x10200] =	vst v63  }
0x24: {  	_ = 	snop  }
0x25: {  	[tilespmem:s1], [sflag:$0x1] =	stream.indirect_vreg.gather [hbm4b:s6+s2], $0x80, v4, vm0, $0xb8;
	[tilespmem:$0x10200] =	vst v63  }
0x26: {  	s0 =	simm.s32 $0x2200  }
0x27: {  	[tilespmem:s0], [sflag:$0x1] =	stream.indirect_vreg.gather [hbm4b:s8+s2], $0x80, v4, vm0, $0xb8;
	[tilespmem:$0x10200] =	vst v63  }
0x28: {  	v3 =	vperm.xlane v3, v2  }
0x29: {  	[tilespmem:s7], [sflag:$0x1] =	stream.indirect_vreg.gather [hbm4b:s9+s2], $0x80, v4, vm0, $0xb8;
	[tilespmem:$0x10200] =	vst v63  }
0x2a: {  	v3 =	vadd.s32 v1, v3  }
0x2b: {  	[tilespmem:s15], [sflag:$0x1] =	stream.indirect_vreg.gather [hbm4b:s10+s2], $0x80, v4, vm0, $0xb8;
	[tilespmem:$0x10200] =	vst v63  }
0x2c: {  	_ = 	snop  }
0x2d: {  	[tilespmem:s16], [sflag:$0x1] =	stream.indirect_vreg.gather [hbm4b:s11+s2], $0x80, v4, vm0, $0xb8;
	[tilespmem:$0x10200] =	vst v63  }
0x2e: {  	_ = 	snop  }
0x2f: {  	[tilespmem:s17], [sflag:$0x1] =	stream.indirect_vreg.gather [hbm4b:s3+s2], $0x80, v3, vm0, $0xb8;
	[tilespmem:$0x10200] =	vst v63  }
0x30: {  	_ = 	snop  }
0x31: {  	[tilespmem:s18], [sflag:$0x1] =	stream.indirect_vreg.gather [hbm4b:s4+s2], $0x80, v3, vm0, $0xb8;
	[tilespmem:$0x10200] =	vst v63  }
0x32: {  	_ = 	snop  }
0x33: {  	[tilespmem:s19], [sflag:$0x1] =	stream.indirect_vreg.gather [hbm4b:s5+s2], $0x80, v3, vm0, $0xb8;
	[tilespmem:$0x10200] =	vst v63  }
0x34: {  	_ = 	snop  }
0x35: {  	[tilespmem:s20], [sflag:$0x1] =	stream.indirect_vreg.gather [hbm4b:s6+s2], $0x80, v3, vm0, $0xb8;
	[tilespmem:$0x10200] =	vst v63  }
0x36: {  	_ = 	snop  }
0x37: {  	[tilespmem:s21], [sflag:$0x1] =	stream.indirect_vreg.gather [hbm4b:s8+s2], $0x80, v3, vm0, $0xb8;
	[tilespmem:$0x10200] =	vst v63  }
0x38: {  	_ = 	snop  }
0x39: {  	[tilespmem:s22], [sflag:$0x1] =	stream.indirect_vreg.gather [hbm4b:s9+s2], $0x80, v3, vm0, $0xb8;
	[tilespmem:$0x10200] =	vst v63  }
0x3a: {  	_ = 	snop  }
0x3b: {  	[tilespmem:s23], [sflag:$0x1] =	stream.indirect_vreg.gather [hbm4b:s10+s2], $0x80, v3, vm0, $0xb8;
	[tilespmem:$0x10200] =	vst v63  }
0x3c: {  	_ = 	snop  }
0x3d: {  	[tilespmem:s24], [sflag:$0x1] =	stream.indirect_vreg.gather [hbm4b:s11+s2], $0x80, v3, vm0, $0xb8;
	[tilespmem:$0x10200] =	vst v63  }
0x3e: {  	v3 =	vld [tilespmem:$0x10];
	_ =	sdelay $0x4  }
0x3f: {  	v57 =	vshll.u32 v3, $0x4  }
0x40: {  	v3 =	vand.u32 $0x7, v3;
	v4 =	vand.u32 $0xFFFFFF80, v57  }
0x41: {  	v3 =	vor.u32 v3, v4  }
0x42: {  	v4 =	vperm.xlane v3, v0;
	_ =	sdelay $0x1  }
0x43: {  	v4 =	vadd.s32 v1, v4;
	_ =	sdelay $0x4  }
0x44: {  	[tilespmem:s25], [sflag:$0x1] =	stream.indirect_vreg.gather [hbm4b:s3+s2], $0x80, v4, vm0, $0xb8;
	[tilespmem:$0x10200] =	vst v63  }
0x45: {  	_ = 	snop  }
0x46: {  	[tilespmem:s26], [sflag:$0x1] =	stream.indirect_vreg.gather [hbm4b:s4+s2], $0x80, v4, vm0, $0xb8;
	[tilespmem:$0x10200] =	vst v63  }
0x47: {  	s29 =	simm.s32 $0x9200  }
0x48: {  	[tilespmem:s29], [sflag:$0x1] =	stream.indirect_vreg.gather [hbm4b:s5+s2], $0x80, v4, vm0, $0xb8;
	[tilespmem:$0x10200] =	vst v63  }
0x49: {  	s29 =	simm.s32 $0x9A00  }
0x4a: {  	[tilespmem:s29], [sflag:$0x1] =	stream.indirect_vreg.gather [hbm4b:s6+s2], $0x80, v4, vm0, $0xb8;
	[tilespmem:$0x10200] =	vst v63  }
0x4b: {  	s29 =	simm.s32 $0xA200  }
0x4c: {  	[tilespmem:s29], [sflag:$0x1] =	stream.indirect_vreg.gather [hbm4b:s8+s2], $0x80, v4, vm0, $0xb8;
	[tilespmem:$0x10200] =	vst v63  }
0x4d: {  	v3 =	vperm.xlane v3, v2;
	s29 =	simm.s32 $0xAA00  }
0x4e: {  	[tilespmem:s29], [sflag:$0x1] =	stream.indirect_vreg.gather [hbm4b:s9+s2], $0x80, v4, vm0, $0xb8;
	[tilespmem:$0x10200] =	vst v63  }
0x4f: {  	v3 =	vadd.s32 v1, v3;
	s29 =	simm.s32 $0xB200  }
0x50: {  	[tilespmem:s29], [sflag:$0x1] =	stream.indirect_vreg.gather [hbm4b:s10+s2], $0x80, v4, vm0, $0xb8;
	[tilespmem:$0x10200] =	vst v63  }
0x51: {  	s29 =	simm.s32 $0xBA00  }
0x52: {  	[tilespmem:s29], [sflag:$0x1] =	stream.indirect_vreg.gather [hbm4b:s11+s2], $0x80, v4, vm0, $0xb8;
	[tilespmem:$0x10200] =	vst v63  }
0x53: {  	s29 =	simm.s32 $0xC200  }
0x54: {  	[tilespmem:s29], [sflag:$0x1] =	stream.indirect_vreg.gather [hbm4b:s3+s2], $0x80, v3, vm0, $0xb8;
	[tilespmem:$0x10200] =	vst v63  }
0x55: {  	s29 =	simm.s32 $0xCA00  }
0x56: {  	[tilespmem:s29], [sflag:$0x1] =	stream.indirect_vreg.gather [hbm4b:s4+s2], $0x80, v3, vm0, $0xb8;
	[tilespmem:$0x10200] =	vst v63  }
0x57: {  	s29 =	simm.s32 $0xD200  }
0x58: {  	[tilespmem:s29], [sflag:$0x1] =	stream.indirect_vreg.gather [hbm4b:s5+s2], $0x80, v3, vm0, $0xb8;
	[tilespmem:$0x10200] =	vst v63  }
0x59: {  	s29 =	simm.s32 $0xDA00  }
0x5a: {  	[tilespmem:s29], [sflag:$0x1] =	stream.indirect_vreg.gather [hbm4b:s6+s2], $0x80, v3, vm0, $0xb8;
	[tilespmem:$0x10200] =	vst v63  }
0x5b: {  	s29 =	simm.s32 $0xE200  }
0x5c: {  	[tilespmem:s29], [sflag:$0x1] =	stream.indirect_vreg.gather [hbm4b:s8+s2], $0x80, v3, vm0, $0xb8;
	[tilespmem:$0x10200] =	vst v63  }
0x5d: {  	s29 =	simm.s32 $0xEA00  }
0x5e: {  	[tilespmem:s29], [sflag:$0x1] =	stream.indirect_vreg.gather [hbm4b:s9+s2], $0x80, v3, vm0, $0xb8;
	[tilespmem:$0x10200] =	vst v63  }
0x5f: {  	s29 =	simm.s32 $0xF200  }
0x60: {  	[tilespmem:s29], [sflag:$0x1] =	stream.indirect_vreg.gather [hbm4b:s10+s2], $0x80, v3, vm0, $0xb8;
	[tilespmem:$0x10200] =	vst v63  }
0x61: {  	s29 =	simm.s32 $0xFA00  }
0x62: {  	[tilespmem:s29], [sflag:$0x1] =	stream.indirect_vreg.gather [hbm4b:s11+s2], $0x80, v3, vm0, $0xb8;
	[tilespmem:$0x10200] =	vst v63  }
0x63: {  	_ =	swait.ge [sflag:s28], $0x10000  }
0x64: {  	[sflag:s28] =	ssyncset.done $0x0  }
0x65: {  	s29 =	rddreg [dreg:$0x7];
	[sflag:s28] =	ssyncadd.s32 $0xFFFF0000  }
0x66: {  	[hbm4b:s29+s2] =	stream.linear.scatter [tilespmem:s14], [sflag:$0x2], $0x10000, $0x38;
	[tilespmem:$0x10200] =	vst v63  }
0x67: {  	_ =	swait.ge [sflag:s13], $0x10000  }
0x68: {  	[sflag:s13] =	ssyncset.done $0x0  }
0x69: {  	[sflag:s13] =	ssyncadd.s32 $0xFFFF0000  }
0x6a: {  	v3 =	vld [tilespmem:$0x80];
	_ =	sdelay $0x4  }
0x6b: {  	v58 =	vshll.u32 v3, $0x4  }
0x6c: {  	v3 =	vand.u32 $0x7, v3;
	v4 =	vand.u32 $0xFFFFFF80, v58  }
0x6d: {  	v3 =	vor.u32 v3, v4  }
0x6e: {  	v4 =	vperm.xlane v3, v0;
	_ =	sdelay $0x1  }
0x6f: {  	v4 =	vadd.s32 v1, v4;
	_ =	sdelay $0x4  }
0x70: {  	[tilespmem:s14], [sflag:$0x1] =	stream.indirect_vreg.gather [hbm4b:s3+s2], $0x80, v4, vm0, $0xb8;
	[tilespmem:$0x10200] =	vst v63  }
0x71: {  	_ = 	snop  }
0x72: {  	[tilespmem:s30], [sflag:$0x1] =	stream.indirect_vreg.gather [hbm4b:s4+s2], $0x80, v4, vm0, $0xb8;
	[tilespmem:$0x10200] =	vst v63  }
0x73: {  	_ = 	snop  }
0x74: {  	[tilespmem:s31], [sflag:$0x1] =	stream.indirect_vreg.gather [hbm4b:s5+s2], $0x80, v4, vm0, $0xb8;
	[tilespmem:$0x10200] =	vst v63  }
0x75: {  	_ = 	snop  }
0x76: {  	[tilespmem:s1], [sflag:$0x1] =	stream.indirect_vreg.gather [hbm4b:s6+s2], $0x80, v4, vm0, $0xb8;
	[tilespmem:$0x10200] =	vst v63  }
0x77: {  	_ = 	snop  }
0x78: {  	[tilespmem:s0], [sflag:$0x1] =	stream.indirect_vreg.gather [hbm4b:s8+s2], $0x80, v4, vm0, $0xb8;
	[tilespmem:$0x10200] =	vst v63  }
0x79: {  	v3 =	vperm.xlane v3, v2  }
0x7a: {  	[tilespmem:s7], [sflag:$0x1] =	stream.indirect_vreg.gather [hbm4b:s9+s2], $0x80, v4, vm0, $0xb8;
	[tilespmem:$0x10200] =	vst v63  }
0x7b: {  	v3 =	vadd.s32 v1, v3  }
0x7c: {  	[tilespmem:s15], [sflag:$0x1] =	stream.indirect_vreg.gather [hbm4b:s10+s2], $0x80, v4, vm0, $0xb8;
	[tilespmem:$0x10200] =	vst v63  }
0x7d: {  	_ = 	snop  }
0x7e: {  	[tilespmem:s16], [sflag:$0x1] =	stream.indirect_vreg.gather [hbm4b:s11+s2], $0x80, v4, vm0, $0xb8;
	[tilespmem:$0x10200] =	vst v63  }
0x7f: {  	_ = 	snop  }
0x80: {  	[tilespmem:s17], [sflag:$0x1] =	stream.indirect_vreg.gather [hbm4b:s3+s2], $0x80, v3, vm0, $0xb8;
	[tilespmem:$0x10200] =	vst v63  }
0x81: {  	_ = 	snop  }
0x82: {  	[tilespmem:s18], [sflag:$0x1] =	stream.indirect_vreg.gather [hbm4b:s4+s2], $0x80, v3, vm0, $0xb8;
	[tilespmem:$0x10200] =	vst v63  }
0x83: {  	_ = 	snop  }
0x84: {  	[tilespmem:s19], [sflag:$0x1] =	stream.indirect_vreg.gather [hbm4b:s5+s2], $0x80, v3, vm0, $0xb8;
	[tilespmem:$0x10200] =	vst v63  }
0x85: {  	_ = 	snop  }
0x86: {  	[tilespmem:s20], [sflag:$0x1] =	stream.indirect_vreg.gather [hbm4b:s6+s2], $0x80, v3, vm0, $0xb8;
	[tilespmem:$0x10200] =	vst v63  }
0x87: {  	_ = 	snop  }
0x88: {  	[tilespmem:s21], [sflag:$0x1] =	stream.indirect_vreg.gather [hbm4b:s8+s2], $0x80, v3, vm0, $0xb8;
	[tilespmem:$0x10200] =	vst v63  }
0x89: {  	_ = 	snop  }
0x8a: {  	[tilespmem:s22], [sflag:$0x1] =	stream.indirect_vreg.gather [hbm4b:s9+s2], $0x80, v3, vm0, $0xb8;
	[tilespmem:$0x10200] =	vst v63  }
0x8b: {  	_ = 	snop  }
0x8c: {  	[tilespmem:s23], [sflag:$0x1] =	stream.indirect_vreg.gather [hbm4b:s10+s2], $0x80, v3, vm0, $0xb8;
	[tilespmem:$0x10200] =	vst v63  }
0x8d: {  	_ = 	snop  }
0x8e: {  	[tilespmem:s24], [sflag:$0x1] =	stream.indirect_vreg.gather [hbm4b:s11+s2], $0x80, v3, vm0, $0xb8;
	[tilespmem:$0x10200] =	vst v63  }
0x8f: {  	v3 =	vld [tilespmem:$0x90];
	_ =	sdelay $0x4  }
0x90: {  	v59 =	vshll.u32 v3, $0x4  }
0x91: {  	v3 =	vand.u32 $0x7, v3;
	v4 =	vand.u32 $0xFFFFFF80, v59  }
0x92: {  	v3 =	vor.u32 v3, v4  }
0x93: {  	v4 =	vperm.xlane v3, v0;
	_ =	sdelay $0x1  }
0x94: {  	v4 =	vadd.s32 v1, v4;
	_ =	sdelay $0x4  }
0x95: {  	[tilespmem:s25], [sflag:$0x1] =	stream.indirect_vreg.gather [hbm4b:s3+s2], $0x80, v4, vm0, $0xb8;
	[tilespmem:$0x10200] =	vst v63  }
0x96: {  	_ = 	snop  }
0x97: {  	[tilespmem:s26], [sflag:$0x1] =	stream.indirect_vreg.gather [hbm4b:s4+s2], $0x80, v4, vm0, $0xb8;
	[tilespmem:$0x10200] =	vst v63  }
0x98: {  	s29 =	simm.s32 $0x9200  }
0x99: {  	[tilespmem:s29], [sflag:$0x1] =	stream.indirect_vreg.gather [hbm4b:s5+s2], $0x80, v4, vm0, $0xb8;
	[tilespmem:$0x10200] =	vst v63  }
0x9a: {  	s29 =	simm.s32 $0x9A00  }
0x9b: {  	[tilespmem:s29], [sflag:$0x1] =	stream.indirect_vreg.gather [hbm4b:s6+s2], $0x80, v4, vm0, $0xb8;
	[tilespmem:$0x10200] =	vst v63  }
0x9c: {  	s29 =	simm.s32 $0xA200  }
0x9d: {  	[tilespmem:s29], [sflag:$0x1] =	stream.indirect_vreg.gather [hbm4b:s8+s2], $0x80, v4, vm0, $0xb8;
	[tilespmem:$0x10200] =	vst v63  }
0x9e: {  	v3 =	vperm.xlane v3, v2;
	s29 =	simm.s32 $0xAA00  }
0x9f: {  	[tilespmem:s29], [sflag:$0x1] =	stream.indirect_vreg.gather [hbm4b:s9+s2], $0x80, v4, vm0, $0xb8;
	[tilespmem:$0x10200] =	vst v63  }
0xa0: {  	v3 =	vadd.s32 v1, v3;
	s29 =	simm.s32 $0xB200  }
0xa1: {  	[tilespmem:s29], [sflag:$0x1] =	stream.indirect_vreg.gather [hbm4b:s10+s2], $0x80, v4, vm0, $0xb8;
	[tilespmem:$0x10200] =	vst v63  }
0xa2: {  	s29 =	simm.s32 $0xBA00  }
0xa3: {  	[tilespmem:s29], [sflag:$0x1] =	stream.indirect_vreg.gather [hbm4b:s11+s2], $0x80, v4, vm0, $0xb8;
	[tilespmem:$0x10200] =	vst v63  }
0xa4: {  	s29 =	simm.s32 $0xC200  }
0xa5: {  	[tilespmem:s29], [sflag:$0x1] =	stream.indirect_vreg.gather [hbm4b:s3+s2], $0x80, v3, vm0, $0xb8;
	[tilespmem:$0x10200] =	vst v63  }
0xa6: {  	s29 =	simm.s32 $0xCA00  }
0xa7: {  	[tilespmem:s29], [sflag:$0x1] =	stream.indirect_vreg.gather [hbm4b:s4+s2], $0x80, v3, vm0, $0xb8;
	[tilespmem:$0x10200] =	vst v63  }
0xa8: {  	s29 =	simm.s32 $0xD200  }
0xa9: {  	[tilespmem:s29], [sflag:$0x1] =	stream.indirect_vreg.gather [hbm4b:s5+s2], $0x80, v3, vm0, $0xb8;
	[tilespmem:$0x10200] =	vst v63  }
0xaa: {  	s29 =	simm.s32 $0xDA00  }
0xab: {  	[tilespmem:s29], [sflag:$0x1] =	stream.indirect_vreg.gather [hbm4b:s6+s2], $0x80, v3, vm0, $0xb8;
	[tilespmem:$0x10200] =	vst v63  }
0xac: {  	s29 =	simm.s32 $0xE200  }
0xad: {  	[tilespmem:s29], [sflag:$0x1] =	stream.indirect_vreg.gather [hbm4b:s8+s2], $0x80, v3, vm0, $0xb8;
	[tilespmem:$0x10200] =	vst v63  }
0xae: {  	s29 =	simm.s32 $0xEA00  }
0xaf: {  	[tilespmem:s29], [sflag:$0x1] =	stream.indirect_vreg.gather [hbm4b:s9+s2], $0x80, v3, vm0, $0xb8;
	[tilespmem:$0x10200] =	vst v63  }
0xb0: {  	s29 =	simm.s32 $0xF200  }
0xb1: {  	[tilespmem:s29], [sflag:$0x1] =	stream.indirect_vreg.gather [hbm4b:s10+s2], $0x80, v3, vm0, $0xb8;
	[tilespmem:$0x10200] =	vst v63  }
0xb2: {  	s29 =	simm.s32 $0xFA00  }
0xb3: {  	[tilespmem:s29], [sflag:$0x1] =	stream.indirect_vreg.gather [hbm4b:s11+s2], $0x80, v3, vm0, $0xb8;
	[tilespmem:$0x10200] =	vst v63  }
0xb4: {  	_ =	swait.ge [sflag:s28], $0x10000  }
0xb5: {  	[sflag:s28] =	ssyncset.done $0x0  }
0xb6: {  	s29 =	rddreg [dreg:$0x4];
	[sflag:s28] =	ssyncadd.s32 $0xFFFF0000  }
0xb7: {  	[hbm4b:s29+s2] =	stream.linear.scatter [tilespmem:s14], [sflag:$0x2], $0x10000, $0x38;
	[tilespmem:$0x10200] =	vst v63  }
0xb8: {  	_ =	swait.ge [sflag:s13], $0x10000  }
0xb9: {  	[sflag:s13] =	ssyncset.done $0x0  }
0xba: {  	[sflag:s13] =	ssyncadd.s32 $0xFFFF0000  }
0xbb: {  	v3 =	vld [tilespmem:$0x100];
	_ =	sdelay $0x4  }
0xbc: {  	v60 =	vshll.u32 v3, $0x4  }
0xbd: {  	v3 =	vand.u32 $0x7, v3;
	v4 =	vand.u32 $0xFFFFFF80, v60  }
0xbe: {  	v3 =	vor.u32 v3, v4  }
0xbf: {  	v4 =	vperm.xlane v3, v0;
	_ =	sdelay $0x1  }
0xc0: {  	v4 =	vadd.s32 v1, v4;
	_ =	sdelay $0x4  }
0xc1: {  	[tilespmem:s14], [sflag:$0x1] =	stream.indirect_vreg.gather [hbm4b:s3+s2], $0x80, v4, vm0, $0xb8;
	[tilespmem:$0x10200] =	vst v63  }
0xc2: {  	_ = 	snop  }
0xc3: {  	[tilespmem:s30], [sflag:$0x1] =	stream.indirect_vreg.gather [hbm4b:s4+s2], $0x80, v4, vm0, $0xb8;
	[tilespmem:$0x10200] =	vst v63  }
0xc4: {  	_ = 	snop  }
0xc5: {  	[tilespmem:s31], [sflag:$0x1] =	stream.indirect_vreg.gather [hbm4b:s5+s2], $0x80, v4, vm0, $0xb8;
	[tilespmem:$0x10200] =	vst v63  }
0xc6: {  	_ = 	snop  }
0xc7: {  	[tilespmem:s1], [sflag:$0x1] =	stream.indirect_vreg.gather [hbm4b:s6+s2], $0x80, v4, vm0, $0xb8;
	[tilespmem:$0x10200] =	vst v63  }
0xc8: {  	_ = 	snop  }
0xc9: {  	[tilespmem:s0], [sflag:$0x1] =	stream.indirect_vreg.gather [hbm4b:s8+s2], $0x80, v4, vm0, $0xb8;
	[tilespmem:$0x10200] =	vst v63  }
0xca: {  	v3 =	vperm.xlane v3, v2  }
0xcb: {  	[tilespmem:s7], [sflag:$0x1] =	stream.indirect_vreg.gather [hbm4b:s9+s2], $0x80, v4, vm0, $0xb8;
	[tilespmem:$0x10200] =	vst v63  }
0xcc: {  	v3 =	vadd.s32 v1, v3  }
0xcd: {  	[tilespmem:s15], [sflag:$0x1] =	stream.indirect_vreg.gather [hbm4b:s10+s2], $0x80, v4, vm0, $0xb8;
	[tilespmem:$0x10200] =	vst v63  }
0xce: {  	_ = 	snop  }
0xcf: {  	[tilespmem:s16], [sflag:$0x1] =	stream.indirect_vreg.gather [hbm4b:s11+s2], $0x80, v4, vm0, $0xb8;
	[tilespmem:$0x10200] =	vst v63  }
0xd0: {  	_ = 	snop  }
0xd1: {  	[tilespmem:s17], [sflag:$0x1] =	stream.indirect_vreg.gather [hbm4b:s3+s2], $0x80, v3, vm0, $0xb8;
	[tilespmem:$0x10200] =	vst v63  }
0xd2: {  	_ = 	snop  }
0xd3: {  	[tilespmem:s18], [sflag:$0x1] =	stream.indirect_vreg.gather [hbm4b:s4+s2], $0x80, v3, vm0, $0xb8;
	[tilespmem:$0x10200] =	vst v63  }
0xd4: {  	_ = 	snop  }
0xd5: {  	[tilespmem:s19], [sflag:$0x1] =	stream.indirect_vreg.gather [hbm4b:s5+s2], $0x80, v3, vm0, $0xb8;
	[tilespmem:$0x10200] =	vst v63  }
0xd6: {  	_ = 	snop  }
0xd7: {  	[tilespmem:s20], [sflag:$0x1] =	stream.indirect_vreg.gather [hbm4b:s6+s2], $0x80, v3, vm0, $0xb8;
	[tilespmem:$0x10200] =	vst v63  }
0xd8: {  	_ = 	snop  }
0xd9: {  	[tilespmem:s21], [sflag:$0x1] =	stream.indirect_vreg.gather [hbm4b:s8+s2], $0x80, v3, vm0, $0xb8;
	[tilespmem:$0x10200] =	vst v63  }
0xda: {  	_ = 	snop  }
0xdb: {  	[tilespmem:s22], [sflag:$0x1] =	stream.indirect_vreg.gather [hbm4b:s9+s2], $0x80, v3, vm0, $0xb8;
	[tilespmem:$0x10200] =	vst v63  }
0xdc: {  	_ = 	snop  }
0xdd: {  	[tilespmem:s23], [sflag:$0x1] =	stream.indirect_vreg.gather [hbm4b:s10+s2], $0x80, v3, vm0, $0xb8;
	[tilespmem:$0x10200] =	vst v63  }
0xde: {  	_ = 	snop  }
0xdf: {  	[tilespmem:s24], [sflag:$0x1] =	stream.indirect_vreg.gather [hbm4b:s11+s2], $0x80, v3, vm0, $0xb8;
	[tilespmem:$0x10200] =	vst v63  }
0xe0: {  	v3 =	vld [tilespmem:$0x110];
	_ =	sdelay $0x4  }
0xe1: {  	v61 =	vshll.u32 v3, $0x4  }
0xe2: {  	v3 =	vand.u32 $0x7, v3;
	v4 =	vand.u32 $0xFFFFFF80, v61  }
0xe3: {  	v3 =	vor.u32 v3, v4  }
0xe4: {  	v4 =	vperm.xlane v3, v0;
	_ =	sdelay $0x1  }
0xe5: {  	v4 =	vadd.s32 v1, v4;
	_ =	sdelay $0x4  }
0xe6: {  	[tilespmem:s25], [sflag:$0x1] =	stream.indirect_vreg.gather [hbm4b:s3+s2], $0x80, v4, vm0, $0xb8;
	[tilespmem:$0x10200] =	vst v63  }
0xe7: {  	_ = 	snop  }
0xe8: {  	[tilespmem:s26], [sflag:$0x1] =	stream.indirect_vreg.gather [hbm4b:s4+s2], $0x80, v4, vm0, $0xb8;
	[tilespmem:$0x10200] =	vst v63  }
0xe9: {  	s29 =	simm.s32 $0x9200  }
0xea: {  	[tilespmem:s29], [sflag:$0x1] =	stream.indirect_vreg.gather [hbm4b:s5+s2], $0x80, v4, vm0, $0xb8;
	[tilespmem:$0x10200] =	vst v63  }
0xeb: {  	s29 =	simm.s32 $0x9A00  }
0xec: {  	[tilespmem:s29], [sflag:$0x1] =	stream.indirect_vreg.gather [hbm4b:s6+s2], $0x80, v4, vm0, $0xb8;
	[tilespmem:$0x10200] =	vst v63  }
0xed: {  	s29 =	simm.s32 $0xA200  }
0xee: {  	[tilespmem:s29], [sflag:$0x1] =	stream.indirect_vreg.gather [hbm4b:s8+s2], $0x80, v4, vm0, $0xb8;
	[tilespmem:$0x10200] =	vst v63  }
0xef: {  	v3 =	vperm.xlane v3, v2;
	s29 =	simm.s32 $0xAA00  }
0xf0: {  	[tilespmem:s29], [sflag:$0x1] =	stream.indirect_vreg.gather [hbm4b:s9+s2], $0x80, v4, vm0, $0xb8;
	[tilespmem:$0x10200] =	vst v63  }
0xf1: {  	v3 =	vadd.s32 v1, v3;
	s29 =	simm.s32 $0xB200  }
0xf2: {  	[tilespmem:s29], [sflag:$0x1] =	stream.indirect_vreg.gather [hbm4b:s10+s2], $0x80, v4, vm0, $0xb8;
	[tilespmem:$0x10200] =	vst v63  }
0xf3: {  	s29 =	simm.s32 $0xBA00  }
0xf4: {  	[tilespmem:s29], [sflag:$0x1] =	stream.indirect_vreg.gather [hbm4b:s11+s2], $0x80, v4, vm0, $0xb8;
	[tilespmem:$0x10200] =	vst v63  }
0xf5: {  	s29 =	simm.s32 $0xC200  }
0xf6: {  	[tilespmem:s29], [sflag:$0x1] =	stream.indirect_vreg.gather [hbm4b:s3+s2], $0x80, v3, vm0, $0xb8;
	[tilespmem:$0x10200] =	vst v63  }
0xf7: {  	s29 =	simm.s32 $0xCA00  }
0xf8: {  	[tilespmem:s29], [sflag:$0x1] =	stream.indirect_vreg.gather [hbm4b:s4+s2], $0x80, v3, vm0, $0xb8;
	[tilespmem:$0x10200] =	vst v63  }
0xf9: {  	s29 =	simm.s32 $0xD200  }
0xfa: {  	[tilespmem:s29], [sflag:$0x1] =	stream.indirect_vreg.gather [hbm4b:s5+s2], $0x80, v3, vm0, $0xb8;
	[tilespmem:$0x10200] =	vst v63  }
0xfb: {  	s29 =	simm.s32 $0xDA00  }
0xfc: {  	[tilespmem:s29], [sflag:$0x1] =	stream.indirect_vreg.gather [hbm4b:s6+s2], $0x80, v3, vm0, $0xb8;
	[tilespmem:$0x10200] =	vst v63  }
0xfd: {  	s29 =	simm.s32 $0xE200  }
0xfe: {  	[tilespmem:s29], [sflag:$0x1] =	stream.indirect_vreg.gather [hbm4b:s8+s2], $0x80, v3, vm0, $0xb8;
	[tilespmem:$0x10200] =	vst v63  }
0xff: {  	s29 =	simm.s32 $0xEA00  }
0x100: {  	[tilespmem:s29], [sflag:$0x1] =	stream.indirect_vreg.gather [hbm4b:s9+s2], $0x80, v3, vm0, $0xb8;
	[tilespmem:$0x10200] =	vst v63  }
0x101: {  	s29 =	simm.s32 $0xF200  }
0x102: {  	[tilespmem:s29], [sflag:$0x1] =	stream.indirect_vreg.gather [hbm4b:s10+s2], $0x80, v3, vm0, $0xb8;
	[tilespmem:$0x10200] =	vst v63  }
0x103: {  	s29 =	simm.s32 $0xFA00  }
0x104: {  	[tilespmem:s29], [sflag:$0x1] =	stream.indirect_vreg.gather [hbm4b:s11+s2], $0x80, v3, vm0, $0xb8;
	[tilespmem:$0x10200] =	vst v63  }
0x105: {  	_ =	swait.ge [sflag:s28], $0x10000  }
0x106: {  	[sflag:s28] =	ssyncset.done $0x0  }
0x107: {  	s29 =	rddreg [dreg:$0x5];
	[sflag:s28] =	ssyncadd.s32 $0xFFFF0000  }
0x108: {  	[hbm4b:s29+s2] =	stream.linear.scatter [tilespmem:s14], [sflag:$0x2], $0x10000, $0x38;
	[tilespmem:$0x10200] =	vst v63  }
0x109: {  	_ =	swait.ge [sflag:s13], $0x10000  }
0x10a: {  	[sflag:s13] =	ssyncset.done $0x0  }
0x10b: {  	[sflag:s13] =	ssyncadd.s32 $0xFFFF0000  }
0x10c: {  	v3 =	vld [tilespmem:$0x180];
	_ =	sdelay $0x4  }
0x10d: {  	v62 =	vshll.u32 v3, $0x4  }
0x10e: {  	v3 =	vand.u32 $0x7, v3;
	v4 =	vand.u32 $0xFFFFFF80, v62  }
0x10f: {  	v3 =	vor.u32 v3, v4  }
0x110: {  	v4 =	vperm.xlane v3, v0;
	_ =	sdelay $0x1  }
0x111: {  	v4 =	vadd.s32 v1, v4;
	_ =	sdelay $0x4  }
0x112: {  	[tilespmem:s14], [sflag:$0x1] =	stream.indirect_vreg.gather [hbm4b:s3+s2], $0x80, v4, vm0, $0xb8;
	[tilespmem:$0x10200] =	vst v63  }
0x113: {  	_ = 	snop  }
0x114: {  	[tilespmem:s30], [sflag:$0x1] =	stream.indirect_vreg.gather [hbm4b:s4+s2], $0x80, v4, vm0, $0xb8;
	[tilespmem:$0x10200] =	vst v63  }
0x115: {  	_ = 	snop  }
0x116: {  	[tilespmem:s31], [sflag:$0x1] =	stream.indirect_vreg.gather [hbm4b:s5+s2], $0x80, v4, vm0, $0xb8;
	[tilespmem:$0x10200] =	vst v63  }
0x117: {  	_ = 	snop  }
0x118: {  	[tilespmem:s1], [sflag:$0x1] =	stream.indirect_vreg.gather [hbm4b:s6+s2], $0x80, v4, vm0, $0xb8;
	[tilespmem:$0x10200] =	vst v63  }
0x119: {  	_ = 	snop  }
0x11a: {  	[tilespmem:s0], [sflag:$0x1] =	stream.indirect_vreg.gather [hbm4b:s8+s2], $0x80, v4, vm0, $0xb8;
	[tilespmem:$0x10200] =	vst v63  }
0x11b: {  	v3 =	vperm.xlane v3, v2  }
0x11c: {  	[tilespmem:s7], [sflag:$0x1] =	stream.indirect_vreg.gather [hbm4b:s9+s2], $0x80, v4, vm0, $0xb8;
	[tilespmem:$0x10200] =	vst v63  }
0x11d: {  	v3 =	vadd.s32 v1, v3  }
0x11e: {  	[tilespmem:s15], [sflag:$0x1] =	stream.indirect_vreg.gather [hbm4b:s10+s2], $0x80, v4, vm0, $0xb8;
	[tilespmem:$0x10200] =	vst v63  }
0x11f: {  	_ = 	snop  }
0x120: {  	[tilespmem:s16], [sflag:$0x1] =	stream.indirect_vreg.gather [hbm4b:s11+s2], $0x80, v4, vm0, $0xb8;
	[tilespmem:$0x10200] =	vst v63  }
0x121: {  	_ = 	snop  }
0x122: {  	[tilespmem:s17], [sflag:$0x1] =	stream.indirect_vreg.gather [hbm4b:s3+s2], $0x80, v3, vm0, $0xb8;
	[tilespmem:$0x10200] =	vst v63  }
0x123: {  	_ = 	snop  }
0x124: {  	[tilespmem:s18], [sflag:$0x1] =	stream.indirect_vreg.gather [hbm4b:s4+s2], $0x80, v3, vm0, $0xb8;
	[tilespmem:$0x10200] =	vst v63  }
0x125: {  	_ = 	snop  }
0x126: {  	[tilespmem:s19], [sflag:$0x1] =	stream.indirect_vreg.gather [hbm4b:s5+s2], $0x80, v3, vm0, $0xb8;
	[tilespmem:$0x10200] =	vst v63  }
0x127: {  	_ = 	snop  }
0x128: {  	[tilespmem:s20], [sflag:$0x1] =	stream.indirect_vreg.gather [hbm4b:s6+s2], $0x80, v3, vm0, $0xb8;
	[tilespmem:$0x10200] =	vst v63  }
0x129: {  	_ = 	snop  }
0x12a: {  	[tilespmem:s21], [sflag:$0x1] =	stream.indirect_vreg.gather [hbm4b:s8+s2], $0x80, v3, vm0, $0xb8;
	[tilespmem:$0x10200] =	vst v63  }
0x12b: {  	_ = 	snop  }
0x12c: {  	[tilespmem:s22], [sflag:$0x1] =	stream.indirect_vreg.gather [hbm4b:s9+s2], $0x80, v3, vm0, $0xb8;
	[tilespmem:$0x10200] =	vst v63  }
0x12d: {  	_ = 	snop  }
0x12e: {  	[tilespmem:s23], [sflag:$0x1] =	stream.indirect_vreg.gather [hbm4b:s10+s2], $0x80, v3, vm0, $0xb8;
	[tilespmem:$0x10200] =	vst v63  }
0x12f: {  	_ = 	snop  }
0x130: {  	[tilespmem:s24], [sflag:$0x1] =	stream.indirect_vreg.gather [hbm4b:s11+s2], $0x80, v3, vm0, $0xb8;
	[tilespmem:$0x10200] =	vst v63  }
0x131: {  	v3 =	vld [tilespmem:$0x190];
	_ =	sdelay $0x4  }
0x132: {  	v63 =	vshll.u32 v3, $0x4  }
0x133: {  	v3 =	vand.u32 $0x7, v3;
	v4 =	vand.u32 $0xFFFFFF80, v63  }
0x134: {  	v3 =	vor.u32 v3, v4  }
0x135: {  	v4 =	vperm.xlane v3, v0;
	_ =	sdelay $0x1  }
0x136: {  	v4 =	vadd.s32 v1, v4;
	_ =	sdelay $0x4  }
0x137: {  	[tilespmem:s25], [sflag:$0x1] =	stream.indirect_vreg.gather [hbm4b:s3+s2], $0x80, v4, vm0, $0xb8;
	[tilespmem:$0x10200] =	vst v63  }
0x138: {  	_ = 	snop  }
0x139: {  	[tilespmem:s26], [sflag:$0x1] =	stream.indirect_vreg.gather [hbm4b:s4+s2], $0x80, v4, vm0, $0xb8;
	[tilespmem:$0x10200] =	vst v63  }
0x13a: {  	s29 =	simm.s32 $0x9200  }
0x13b: {  	[tilespmem:s29], [sflag:$0x1] =	stream.indirect_vreg.gather [hbm4b:s5+s2], $0x80, v4, vm0, $0xb8;
	[tilespmem:$0x10200] =	vst v63  }
0x13c: {  	s29 =	simm.s32 $0x9A00  }
0x13d: {  	[tilespmem:s29], [sflag:$0x1] =	stream.indirect_vreg.gather [hbm4b:s6+s2], $0x80, v4, vm0, $0xb8;
	[tilespmem:$0x10200] =	vst v63  }
0x13e: {  	s29 =	simm.s32 $0xA200  }
0x13f: {  	[tilespmem:s29], [sflag:$0x1] =	stream.indirect_vreg.gather [hbm4b:s8+s2], $0x80, v4, vm0, $0xb8;
	[tilespmem:$0x10200] =	vst v63  }
0x140: {  	v3 =	vperm.xlane v3, v2;
	s29 =	simm.s32 $0xAA00  }
0x141: {  	[tilespmem:s29], [sflag:$0x1] =	stream.indirect_vreg.gather [hbm4b:s9+s2], $0x80, v4, vm0, $0xb8;
	[tilespmem:$0x10200] =	vst v63  }
0x142: {  	v3 =	vadd.s32 v1, v3;
	s29 =	simm.s32 $0xB200  }
0x143: {  	[tilespmem:s29], [sflag:$0x1] =	stream.indirect_vreg.gather [hbm4b:s10+s2], $0x80, v4, vm0, $0xb8;
	[tilespmem:$0x10200] =	vst v63  }
0x144: {  	s29 =	simm.s32 $0xBA00  }
0x145: {  	[tilespmem:s29], [sflag:$0x1] =	stream.indirect_vreg.gather [hbm4b:s11+s2], $0x80, v4, vm0, $0xb8;
	[tilespmem:$0x10200] =	vst v63  }
0x146: {  	s29 =	simm.s32 $0xC200  }
0x147: {  	[tilespmem:s29], [sflag:$0x1] =	stream.indirect_vreg.gather [hbm4b:s3+s2], $0x80, v3, vm0, $0xb8;
	[tilespmem:$0x10200] =	vst v63  }
0x148: {  	s29 =	simm.s32 $0xCA00  }
0x149: {  	[tilespmem:s29], [sflag:$0x1] =	stream.indirect_vreg.gather [hbm4b:s4+s2], $0x80, v3, vm0, $0xb8;
	[tilespmem:$0x10200] =	vst v63  }
0x14a: {  	s29 =	simm.s32 $0xD200  }
0x14b: {  	[tilespmem:s29], [sflag:$0x1] =	stream.indirect_vreg.gather [hbm4b:s5+s2], $0x80, v3, vm0, $0xb8;
	[tilespmem:$0x10200] =	vst v63  }
0x14c: {  	s29 =	simm.s32 $0xDA00  }
0x14d: {  	[tilespmem:s29], [sflag:$0x1] =	stream.indirect_vreg.gather [hbm4b:s6+s2], $0x80, v3, vm0, $0xb8;
	[tilespmem:$0x10200] =	vst v63  }
0x14e: {  	s29 =	simm.s32 $0xE200  }
0x14f: {  	[tilespmem:s29], [sflag:$0x1] =	stream.indirect_vreg.gather [hbm4b:s8+s2], $0x80, v3, vm0, $0xb8;
	[tilespmem:$0x10200] =	vst v63  }
0x150: {  	s29 =	simm.s32 $0xEA00  }
0x151: {  	[tilespmem:s29], [sflag:$0x1] =	stream.indirect_vreg.gather [hbm4b:s9+s2], $0x80, v3, vm0, $0xb8;
	[tilespmem:$0x10200] =	vst v63  }
0x152: {  	s29 =	simm.s32 $0xF200  }
0x153: {  	[tilespmem:s29], [sflag:$0x1] =	stream.indirect_vreg.gather [hbm4b:s10+s2], $0x80, v3, vm0, $0xb8;
	[tilespmem:$0x10200] =	vst v63  }
0x154: {  	s29 =	simm.s32 $0xFA00  }
0x155: {  	[tilespmem:s29], [sflag:$0x1] =	stream.indirect_vreg.gather [hbm4b:s11+s2], $0x80, v3, vm0, $0xb8;
	[tilespmem:$0x10200] =	vst v63  }
0x156: {  	_ =	swait.ge [sflag:s28], $0x10000  }
0x157: {  	p0 =	sne.s32 s12, $0x1;
	[sflag:s28] =	ssyncset.done $0x0  }
.Ltmp0:
0x158: {  	s0 =	rddreg [dreg:$0x6];
	[sflag:s28] =	ssyncadd.s32 $0xFFFF0000;
	(pc) =	sbr.rel @p0 .LBB2_1-.Ltmp0, $4  }
0x159: {  	[hbm4b:s0+s2] =	stream.linear.scatter [tilespmem:s14], [sflag:$0x2], $0x10000, $0x38;
	[tilespmem:$0x10200] =	vst v63  }
0x15a: {  	_ =	swait.ge [sflag:s13], $0x10000  }
0x15b: {  	[sflag:s13] =	ssyncset.done $0x0  }
0x15c: {  	s12 =	sadd.s32 $0xFFFFFFFF, s12;
	[sflag:s13] =	ssyncadd.s32 $0xFFFF0000  }
0x15d: {  	_ =	sfence.sel $0x180000  }
0x15e: {  	[bflag:$0x0] =	sbarrier.arrive $0xFFFF  }
0x15f: {  	_ =	strace $0x9000004A  }
0x160: {  	s0 =	stileid.u32;
	[bflag:$0x2] =	sbarrier.arrive $0xFFFF  }
0x161: {  	p0 =	sne.s32 s0, $0x0;
	s0 =	rddreg [dreg:$0x2]  }
0x162: {  	s0 =	sadd.s32 @!p0 $0x100000, s0  }
0x163: {  	[sflag:s0] =	ssyncadd.tile.s32 @!p0 $0x1;
	_ =	shalt  }
.Lfunc_end2:
_tile_overlayer_lowered:
.L_overlay_start_2:
0x164: {  	(tag) =	ssettag $0x2  }
0x165: {  	s0 =	rddreg [dreg:$0x0];
	s2 =	stileid.u32  }
0x166: {  	s1 =	rddreg [dreg:$0x1];
	p0 =	sne.s32 s2, $0x0  }
0x167: {  	s3 =	rddreg [dreg:$0x2];
	[bflag:$0x3] =	sbarrier.arrive $0xFFFF;
	s2 =	simm.s32 @!p0 $0x1C02  }
0x168: {  	[timem:s3], [sflag:s2] =	dma.local @!p0 [hbm:s0], s1  }
0x169: {  	s0 =	simm.s32 @!p0 $0x2  }
0x16a: {  	_ =	swait.ge @!p0 [sflag:s0], s1  }
0x16b: {  	s1 =	ssub.s32 @!p0 $0x0, s1;
	[sflag:s0] =	ssyncset.done @!p0 $0x0  }
0x16c: {  	[sflag:s0] =	ssyncadd.s32 @!p0 s1  }
0x16d: {  	[bflag:$0x3] =	sbarrier.arrive $0xFFFF  }
0x16e: {  	_ =	shalt  }

</sc_bundles>
